<compile_context>
chip_gen: v7x
topology: tpu7x:2x2x1
jax: 0.10.2.dev20260603
libtpu: 0.0.44.dev20260713+nightly
codegen_flags: <defaults>
</compile_context>

<pallas_src>
import functools

import jax
import jax.numpy as jnp
from jax import lax
from jax.experimental import pallas as pl
from jax.experimental.pallas import tpu as pltpu
from jax.experimental.pallas import tpu_sc as plsc

V = 50
D = 18432
BATCH = 128
PLEN = 50
B = BATCH * PLEN
NC = 2
NS = 16
NW = NC * NS
BPW = B // NW
BPAD = 224
GROUP = 16
NGROUP = BPW // GROUP
NREM = BPW - NGROUP * GROUP
NBUF = 4


def _gather_body(tbl, idxs, out, idx_vm, *rest):
    bufs = rest[:NBUF]
    gsem = rest[NBUF:2 * NBUF]
    psem = rest[2 * NBUF:3 * NBUF]

    s = lax.axis_index("s")
    wid = s * NC + lax.axis_index("c")
    base = wid * BPW
    pltpu.sync_copy(idxs.at[wid], idx_vm)

    def gather(iv, b):
        pltpu.async_copy(tbl.at[pl.ds(iv, 1)], bufs[b], gsem[b])

    def put(c, b):
        bb = c // PLEN
        pp = c - bb * PLEN
        pltpu.async_copy(bufs[b], out.at[4 * wid + bb, pl.ds(pp, 1)], psem[b])

    def wait_gather(b):
        pltpu.make_async_copy(tbl.at[pl.ds(0, 1)], bufs[b], gsem[b]).wait()

    def wait_put(b):
        pltpu.make_async_copy(bufs[b], out.at[0, pl.ds(0, 1)], psem[b]).wait()

    vec0 = idx_vm[pl.ds(0, GROUP)]
    for b in range(NBUF):
        gather(vec0[b], b)

    def body(i, carry):
        c0 = i * GROUP
        vec = idx_vm[pl.ds(pl.multiple_of(c0, GROUP), GROUP)]
        vec_next = idx_vm[pl.ds(pl.multiple_of(c0 + GROUP, GROUP), GROUP)]
        for j in range(GROUP):
            b = j % NBUF
            wait_gather(b)
            put(c0 + j, b)
            wait_put(b)
            nj = j + NBUF
            iv = vec[nj] if nj < GROUP else vec_next[nj - GROUP]
            gather(iv, b)
        return carry

    lax.fori_loop(0, NGROUP, body, 0)
    vec_r = idx_vm[pl.ds(NGROUP * GROUP, GROUP)]
    for j in range(NREM):
        c = NGROUP * GROUP + j
        b = j % NBUF
        wait_gather(b)
        put(c, b)
        wait_put(b)
        if j + NBUF < NREM:
            gather(vec_r[j + NBUF], b)


@functools.cache
def _build_gather_kernel():
    mesh = plsc.VectorSubcoreMesh(
        core_axis_name="c", subcore_axis_name="s", num_cores=NC, num_subcores=NS
    )
    return functools.partial(
        pl.kernel,
        out_type=jax.ShapeDtypeStruct((BATCH, PLEN, D), jnp.float32),
        mesh=mesh,
        compiler_params=pltpu.CompilerParams(use_tc_tiling_on_sc=True),
        scratch_types=[
            pltpu.VMEM((BPAD,), jnp.int32),
        ]
        + [pltpu.VMEM((1, D), jnp.float32)] * NBUF
        + [pltpu.SemaphoreType.DMA] * (2 * NBUF),
    )(_gather_body)


def kernel(prefix, embedding_table):
    idx = prefix.reshape(NW, BPW).astype(jnp.int32)
    idx = jnp.pad(idx, ((0, 0), (0, BPAD - BPW)))
    return _build_gather_kernel()(embedding_table, idx)

# --- scband reference (transcript-rebuilt; emitter-appended) ---
"""Pipeline reference for scband-prefix-encoder-3564822856294 (READ-ONLY COPY).

The authoritative reference and input builder live on the scoring server;
editing this copy changes nothing except your own understanding.
"""

import jax, jax.numpy as jnp
import numpy as np

PREFIX_SEQ_LEN = 50
HIDDEN = 768
NUM_LAYERS = 12
EMBED_DIM = NUM_LAYERS * 2 * HIDDEN  # 18432
BATCH = 128
PREFIX_LEN = 50


def setup_inputs(seed: int = 0) -> dict:
    key = jax.random.key(seed)
    k_tab, k_idx = jax.random.split(key)
    # nn.Embedding default init: N(0, 1)
    embedding_table = jax.random.normal(k_tab, (PREFIX_SEQ_LEN, EMBED_DIM), dtype=jnp.float32)
    prefix = jax.random.randint(k_idx, (BATCH, PREFIX_LEN), 0, PREFIX_SEQ_LEN, dtype=jnp.int64 if jax.config.jax_enable_x64 else jnp.int32)
    return {"prefix": prefix, "embedding_table": embedding_table}


def reference(prefix, embedding_table):
    # prefix_projection=False branch: past_key_values = self.embedding(prefix)
    past_key_values = jnp.take(embedding_table, prefix, axis=0)
    return past_key_values

if __name__ == "__main__":
    import jax
    _d = setup_inputs()
    print(jax.jit(kernel)(*tuple(_d.values())))

</pallas_src>

<mosaic_0001>
#map = affine_map<(d0, d1) -> (0, 0)>
#map1 = affine_map<(d0, d1) -> (0, 0, 0)>
module attributes {stable_mosaic.version = 14 : i64} {
  func.func @_gather_body(%arg0: i32, %arg1: i32, %arg2: memref<50x18432xf32, #tpu.memory_space<hbm>>, %arg3: memref<32x224xi32, #tpu.memory_space<hbm>>, %arg4: memref<128x50x18432xf32, #tpu.memory_space<hbm>>, %arg5: memref<224xi32, #tpu.memory_space<vmem>>, %arg6: memref<1x18432xf32, #tpu.memory_space<vmem>>, %arg7: memref<1x18432xf32, #tpu.memory_space<vmem>>, %arg8: memref<1x18432xf32, #tpu.memory_space<vmem>>, %arg9: memref<1x18432xf32, #tpu.memory_space<vmem>>, %arg10: memref<!tpu.dma_semaphore, #tpu.memory_space<semaphore_mem>>, %arg11: memref<!tpu.dma_semaphore, #tpu.memory_space<semaphore_mem>>, %arg12: memref<!tpu.dma_semaphore, #tpu.memory_space<semaphore_mem>>, %arg13: memref<!tpu.dma_semaphore, #tpu.memory_space<semaphore_mem>>, %arg14: memref<!tpu.dma_semaphore, #tpu.memory_space<semaphore_mem>>, %arg15: memref<!tpu.dma_semaphore, #tpu.memory_space<semaphore_mem>>, %arg16: memref<!tpu.dma_semaphore, #tpu.memory_space<semaphore_mem>>, %arg17: memref<!tpu.dma_semaphore, #tpu.memory_space<semaphore_mem>>) attributes {dimension_semantics = [#tpu.dimension_semantics<core_parallel>, #tpu.dimension_semantics<subcore_parallel>], iteration_bounds = array<i64: 2, 16>, scalar_prefetch = 0 : i64, scratch_operands = 13 : i64, tpu.core_type = #tpu.core_type<sc_vector_subcore>, window_params = [{transform_indices = #map}, {transform_indices = #map}, {transform_indices = #map1}]} {
    %mul3A = arith.constant 2 : i32
    %mul3A_0 = arith.muli %arg1, %mul3A : i32
    %add3A = arith.addi %mul3A_0, %arg0 : i32
    %mul3A_1 = arith.constant 200 : i32
    %mul3A_2 = arith.muli %add3A, %mul3A_1 : i32
    "tpu.region"() ({
      %run_scoped3A = tpu.sem_alloc : memref<!tpu.dma_semaphore, #tpu.memory_space<semaphore_mem>>
      %dma_start3A_273 = arith.constant 0 : i32
      %dma_start3A_274 = tpu.memref_slice %arg3[%add3A, %dma_start3A_273] : memref<32x224xi32, #tpu.memory_space<hbm>> -> memref<1x224xi32, #tpu.memory_space<hbm>>
      %dma_start3A_275 = tpu.memref_squeeze %dma_start3A_274 : memref<1x224xi32, #tpu.memory_space<hbm>> -> memref<224xi32, #tpu.memory_space<hbm>>
      %dma_start3A_276 = arith.constant 0 : i32
      %dma_start3A_277 = tpu.memref_slice %arg3[%add3A, %dma_start3A_276] : memref<32x224xi32, #tpu.memory_space<hbm>> -> memref<1x224xi32, #tpu.memory_space<hbm>>
      %dma_start3A_278 = tpu.memref_squeeze %dma_start3A_277 : memref<1x224xi32, #tpu.memory_space<hbm>> -> memref<224xi32, #tpu.memory_space<hbm>>
      tpu.enqueue_dma source(%dma_start3A_278 : memref<224xi32, #tpu.memory_space<hbm>>) target(%arg5 : memref<224xi32, #tpu.memory_space<vmem>>) target_semaphore(%run_scoped3A : memref<!tpu.dma_semaphore, #tpu.memory_space<semaphore_mem>>)
      %dma_wait3A_279 = arith.constant 0 : i32
      %dma_wait3A_280 = tpu.memref_slice %arg3[%add3A, %dma_wait3A_279] : memref<32x224xi32, #tpu.memory_space<hbm>> -> memref<1x224xi32, #tpu.memory_space<hbm>>
      %dma_wait3A_281 = tpu.memref_squeeze %dma_wait3A_280 : memref<1x224xi32, #tpu.memory_space<hbm>> -> memref<224xi32, #tpu.memory_space<hbm>>
      %dma_wait3A_282 = arith.constant 0 : i32
      %dma_wait3A_283 = tpu.memref_slice %arg3[%add3A, %dma_wait3A_282] : memref<32x224xi32, #tpu.memory_space<hbm>> -> memref<1x224xi32, #tpu.memory_space<hbm>>
      %dma_wait3A_284 = tpu.memref_squeeze %dma_wait3A_283 : memref<1x224xi32, #tpu.memory_space<hbm>> -> memref<224xi32, #tpu.memory_space<hbm>>
      tpu.wait_dma2 semaphore(%run_scoped3A : memref<!tpu.dma_semaphore, #tpu.memory_space<semaphore_mem>>) src(%dma_wait3A_284 : memref<224xi32, #tpu.memory_space<hbm>>) dst(%arg5 : memref<224xi32, #tpu.memory_space<vmem>>)
      tpu.yield
    }) : () -> ()
    %get3A = arith.constant 0 : index
    %get3A_3 = tpu.vector_load %arg5[%get3A] {strides = array<i32>} : memref<224xi32, #tpu.memory_space<vmem>>, vector<16xi32>,
    %get3A_4 = vector.shape_cast %get3A_3 : vector<16xi32> to vector<16xi32>
    %slice3A = vector.extract_strided_slice %get3A_4 {offsets = [0], sizes = [1], strides = [1]} : vector<16xi32> to vector<1xi32>
    %squeeze3A = vector.extract %slice3A[0] : i32 from vector<1xi32>
    %dma_start3A = arith.constant 0 : i32
    %dma_start3A_5 = tpu.memref_slice %arg2[%squeeze3A, %dma_start3A] : memref<50x18432xf32, #tpu.memory_space<hbm>> -> memref<1x18432xf32, #tpu.memory_space<hbm>>
    %dma_start3A_6 = arith.constant 0 : i32
    %dma_start3A_7 = tpu.memref_slice %arg2[%squeeze3A, %dma_start3A_6] : memref<50x18432xf32, #tpu.memory_space<hbm>> -> memref<1x18432xf32, #tpu.memory_space<hbm>>
    tpu.enqueue_dma source(%dma_start3A_7 : memref<1x18432xf32, #tpu.memory_space<hbm>>) target(%arg6 : memref<1x18432xf32, #tpu.memory_space<vmem>>) target_semaphore(%arg10 : memref<!tpu.dma_semaphore, #tpu.memory_space<semaphore_mem>>)
    %slice3A_8 = vector.extract_strided_slice %get3A_4 {offsets = [1], sizes = [1], strides = [1]} : vector<16xi32> to vector<1xi32>
    %squeeze3A_9 = vector.extract %slice3A_8[0] : i32 from vector<1xi32>
    %dma_start3A_10 = arith.constant 0 : i32
    %dma_start3A_11 = tpu.memref_slice %arg2[%squeeze3A_9, %dma_start3A_10] : memref<50x18432xf32, #tpu.memory_space<hbm>> -> memref<1x18432xf32, #tpu.memory_space<hbm>>
    %dma_start3A_12 = arith.constant 0 : i32
    %dma_start3A_13 = tpu.memref_slice %arg2[%squeeze3A_9, %dma_start3A_12] : memref<50x18432xf32, #tpu.memory_space<hbm>> -> memref<1x18432xf32, #tpu.memory_space<hbm>>
    tpu.enqueue_dma source(%dma_start3A_13 : memref<1x18432xf32, #tpu.memory_space<hbm>>) target(%arg7 : memref<1x18432xf32, #tpu.memory_space<vmem>>) target_semaphore(%arg11 : memref<!tpu.dma_semaphore, #tpu.memory_space<semaphore_mem>>)
    %slice3A_14 = vector.extract_strided_slice %get3A_4 {offsets = [2], sizes = [1], strides = [1]} : vector<16xi32> to vector<1xi32>
    %squeeze3A_15 = vector.extract %slice3A_14[0] : i32 from vector<1xi32>
    %dma_start3A_16 = arith.constant 0 : i32
    %dma_start3A_17 = tpu.memref_slice %arg2[%squeeze3A_15, %dma_start3A_16] : memref<50x18432xf32, #tpu.memory_space<hbm>> -> memref<1x18432xf32, #tpu.memory_space<hbm>>
    %dma_start3A_18 = arith.constant 0 : i32
    %dma_start3A_19 = tpu.memref_slice %arg2[%squeeze3A_15, %dma_start3A_18] : memref<50x18432xf32, #tpu.memory_space<hbm>> -> memref<1x18432xf32, #tpu.memory_space<hbm>>
    tpu.enqueue_dma source(%dma_start3A_19 : memref<1x18432xf32, #tpu.memory_space<hbm>>) target(%arg8 : memref<1x18432xf32, #tpu.memory_space<vmem>>) target_semaphore(%arg12 : memref<!tpu.dma_semaphore, #tpu.memory_space<semaphore_mem>>)
    %slice3A_20 = vector.extract_strided_slice %get3A_4 {offsets = [3], sizes = [1], strides = [1]} : vector<16xi32> to vector<1xi32>
    %squeeze3A_21 = vector.extract %slice3A_20[0] : i32 from vector<1xi32>
    %dma_start3A_22 = arith.constant 0 : i32
    %dma_start3A_23 = tpu.memref_slice %arg2[%squeeze3A_21, %dma_start3A_22] : memref<50x18432xf32, #tpu.memory_space<hbm>> -> memref<1x18432xf32, #tpu.memory_space<hbm>>
    %dma_start3A_24 = arith.constant 0 : i32
    %dma_start3A_25 = tpu.memref_slice %arg2[%squeeze3A_21, %dma_start3A_24] : memref<50x18432xf32, #tpu.memory_space<hbm>> -> memref<1x18432xf32, #tpu.memory_space<hbm>>
    tpu.enqueue_dma source(%dma_start3A_25 : memref<1x18432xf32, #tpu.memory_space<hbm>>) target(%arg9 : memref<1x18432xf32, #tpu.memory_space<vmem>>) target_semaphore(%arg13 : memref<!tpu.dma_semaphore, #tpu.memory_space<semaphore_mem>>)
    %scan3A = arith.constant 0 : i32
    %scan3A_26 = arith.constant 0 : i32
    %scan3A_27 = arith.constant 12 : i32
    %scan3A_28 = arith.addi %scan3A_26, %scan3A_27 : i32
    %scan3A_29 = arith.constant 1 : i32
    scf.for %scan3A_273 = %scan3A_26 to %scan3A_28 step %scan3A_29  : i32 {
      %mul3A_274 = arith.constant 16 : i32
      %mul3A_275 = arith.muli %scan3A_273, %mul3A_274 : i32
      %multiple_of3A = tpu.assume_multiple %mul3A_275, 16 : i32
      %get3A_276 = arith.index_cast %multiple_of3A : i32 to index
      %get3A_277 = tpu.vector_load %arg5[%get3A_276] {strides = array<i32>} : memref<224xi32, #tpu.memory_space<vmem>>, vector<16xi32>,
      %get3A_278 = vector.shape_cast %get3A_277 : vector<16xi32> to vector<16xi32>
      %add3A_279 = arith.constant 16 : i32
      %add3A_280 = arith.addi %mul3A_275, %add3A_279 : i32
      %multiple_of3A_281 = tpu.assume_multiple %add3A_280, 16 : i32
      %get3A_282 = arith.index_cast %multiple_of3A_281 : i32 to index
      %get3A_283 = tpu.vector_load %arg5[%get3A_282] {strides = array<i32>} : memref<224xi32, #tpu.memory_space<vmem>>, vector<16xi32>,
      %get3A_284 = vector.shape_cast %get3A_283 : vector<16xi32> to vector<16xi32>
      %dma_wait3A_285 = arith.constant 0 : i32
      %dma_wait3A_286 = arith.constant 0 : i32
      %dma_wait3A_287 = tpu.memref_slice %arg2[%dma_wait3A_285, %dma_wait3A_286] : memref<50x18432xf32, #tpu.memory_space<hbm>> -> memref<1x18432xf32, #tpu.memory_space<hbm>>
      %dma_wait3A_288 = arith.constant 0 : i32
      %dma_wait3A_289 = arith.constant 0 : i32
      %dma_wait3A_290 = tpu.memref_slice %arg2[%dma_wait3A_288, %dma_wait3A_289] : memref<50x18432xf32, #tpu.memory_space<hbm>> -> memref<1x18432xf32, #tpu.memory_space<hbm>>
      tpu.wait_dma2 semaphore(%arg10 : memref<!tpu.dma_semaphore, #tpu.memory_space<semaphore_mem>>) src(%dma_wait3A_290 : memref<1x18432xf32, #tpu.memory_space<hbm>>) dst(%arg6 : memref<1x18432xf32, #tpu.memory_space<vmem>>)
      %add3A_291 = arith.constant 0 : i32
      %add3A_292 = arith.addi %mul3A_275, %add3A_291 : i32
      %jit3A = arith.constant 50 : i32
      %div3A = arith.divsi %add3A_292, %jit3A : i32
      %sign3A = arith.constant 0 : i32
      %sign3A_293 = arith.cmpi sgt, %add3A_292, %sign3A : i32
      %sign3A_294 = arith.extui %sign3A_293 : i1 to i32
      %sign3A_295 = arith.constant 0 : i32
      %sign3A_296 = arith.cmpi slt, %add3A_292, %sign3A_295 : i32
      %sign3A_297 = arith.extui %sign3A_296 : i1 to i32
      %sign3A_298 = arith.subi %sign3A_294, %sign3A_297 : i32
      %sign3A_299 = arith.constant 0 : i32
      %sign3A_300 = arith.cmpi sgt, %jit3A, %sign3A_299 : i32
      %sign3A_301 = arith.extui %sign3A_300 : i1 to i32
      %sign3A_302 = arith.constant 0 : i32
      %sign3A_303 = arith.cmpi slt, %jit3A, %sign3A_302 : i32
      %sign3A_304 = arith.extui %sign3A_303 : i1 to i32
      %sign3A_305 = arith.subi %sign3A_301, %sign3A_304 : i32
      %ne3A = arith.cmpi ne, %sign3A_298, %sign3A_305 : i32
      %rem3A = arith.remsi %add3A_292, %jit3A : i32
      %ne3A_306 = arith.constant 0 : i32
      %ne3A_307 = arith.cmpi ne, %rem3A, %ne3A_306 : i32
      %and3A = arith.andi %ne3A, %ne3A_307 : i1
      %sub3A = arith.constant 1 : i32
      %sub3A_308 = arith.subi %div3A, %sub3A : i32
      %select_n3A = arith.select %and3A, %sub3A_308, %div3A : i32
      %mul3A_309 = arith.constant 50 : i32
      %mul3A_310 = arith.muli %select_n3A, %mul3A_309 : i32
      %sub3A_311 = arith.subi %add3A_292, %mul3A_310 : i32
      %mul3A_312 = arith.constant 4 : i32
      %mul3A_313 = arith.muli %mul3A_312, %add3A : i32
      %add3A_314 = arith.addi %mul3A_313, %select_n3A : i32
      %dma_start3A_315 = arith.constant 0 : i32
      %dma_start3A_316 = tpu.memref_slice %arg4[%add3A_314, %sub3A_311, %dma_start3A_315] : memref<128x50x18432xf32, #tpu.memory_space<hbm>> -> memref<1x1x18432xf32, #tpu.memory_space<hbm>>
      %dma_start3A_317 = tpu.memref_squeeze %dma_start3A_316 : memref<1x1x18432xf32, #tpu.memory_space<hbm>> -> memref<1x18432xf32, #tpu.memory_space<hbm>>
      %dma_start3A_318 = arith.constant 0 : i32
      %dma_start3A_319 = tpu.memref_slice %arg4[%add3A_314, %sub3A_311, %dma_start3A_318] : memref<128x50x18432xf32, #tpu.memory_space<hbm>> -> memref<1x1x18432xf32, #tpu.memory_space<hbm>>
      %dma_start3A_320 = tpu.memref_squeeze %dma_start3A_319 : memref<1x1x18432xf32, #tpu.memory_space<hbm>> -> memref<1x18432xf32, #tpu.memory_space<hbm>>
      tpu.enqueue_dma source(%arg6 : memref<1x18432xf32, #tpu.memory_space<vmem>>) target(%dma_start3A_320 : memref<1x18432xf32, #tpu.memory_space<hbm>>) target_semaphore(%arg14 : memref<!tpu.dma_semaphore, #tpu.memory_space<semaphore_mem>>)
      %dma_wait3A_321 = arith.constant 0 : i32
      %dma_wait3A_322 = arith.constant 0 : i32
      %dma_wait3A_323 = arith.constant 0 : i32
      %dma_wait3A_324 = tpu.memref_slice %arg4[%dma_wait3A_321, %dma_wait3A_322, %dma_wait3A_323] : memref<128x50x18432xf32, #tpu.memory_space<hbm>> -> memref<1x1x18432xf32, #tpu.memory_space<hbm>>
      %dma_wait3A_325 = tpu.memref_squeeze %dma_wait3A_324 : memref<1x1x18432xf32, #tpu.memory_space<hbm>> -> memref<1x18432xf32, #tpu.memory_space<hbm>>
      %dma_wait3A_326 = arith.constant 0 : i32
      %dma_wait3A_327 = arith.constant 0 : i32
      %dma_wait3A_328 = tpu.memref_slice %arg4[%dma_wait3A_321, %dma_wait3A_326, %dma_wait3A_327] : memref<128x50x18432xf32, #tpu.memory_space<hbm>> -> memref<1x1x18432xf32, #tpu.memory_space<hbm>>
      %dma_wait3A_329 = tpu.memref_squeeze %dma_wait3A_328 : memref<1x1x18432xf32, #tpu.memory_space<hbm>> -> memref<1x18432xf32, #tpu.memory_space<hbm>>
      tpu.wait_dma2 semaphore(%arg14 : memref<!tpu.dma_semaphore, #tpu.memory_space<semaphore_mem>>) src(%arg6 : memref<1x18432xf32, #tpu.memory_space<vmem>>) dst(%dma_wait3A_329 : memref<1x18432xf32, #tpu.memory_space<hbm>>)
      %slice3A_330 = vector.extract_strided_slice %get3A_278 {offsets = [4], sizes = [1], strides = [1]} : vector<16xi32> to vector<1xi32>
      %squeeze3A_331 = vector.extract %slice3A_330[0] : i32 from vector<1xi32>
      %dma_start3A_332 = arith.constant 0 : i32
      %dma_start3A_333 = tpu.memref_slice %arg2[%squeeze3A_331, %dma_start3A_332] : memref<50x18432xf32, #tpu.memory_space<hbm>> -> memref<1x18432xf32, #tpu.memory_space<hbm>>
      %dma_start3A_334 = arith.constant 0 : i32
      %dma_start3A_335 = tpu.memref_slice %arg2[%squeeze3A_331, %dma_start3A_334] : memref<50x18432xf32, #tpu.memory_space<hbm>> -> memref<1x18432xf32, #tpu.memory_space<hbm>>
      tpu.enqueue_dma source(%dma_start3A_335 : memref<1x18432xf32, #tpu.memory_space<hbm>>) target(%arg6 : memref<1x18432xf32, #tpu.memory_space<vmem>>) target_semaphore(%arg10 : memref<!tpu.dma_semaphore, #tpu.memory_space<semaphore_mem>>)
      %dma_wait3A_336 = arith.constant 0 : i32
      %dma_wait3A_337 = arith.constant 0 : i32
      %dma_wait3A_338 = tpu.memref_slice %arg2[%dma_wait3A_336, %dma_wait3A_337] : memref<50x18432xf32, #tpu.memory_space<hbm>> -> memref<1x18432xf32, #tpu.memory_space<hbm>>
      %dma_wait3A_339 = arith.constant 0 : i32
      %dma_wait3A_340 = arith.constant 0 : i32
      %dma_wait3A_341 = tpu.memref_slice %arg2[%dma_wait3A_339, %dma_wait3A_340] : memref<50x18432xf32, #tpu.memory_space<hbm>> -> memref<1x18432xf32, #tpu.memory_space<hbm>>
      tpu.wait_dma2 semaphore(%arg11 : memref<!tpu.dma_semaphore, #tpu.memory_space<semaphore_mem>>) src(%dma_wait3A_341 : memref<1x18432xf32, #tpu.memory_space<hbm>>) dst(%arg7 : memref<1x18432xf32, #tpu.memory_space<vmem>>)
      %add3A_342 = arith.constant 1 : i32
      %add3A_343 = arith.addi %mul3A_275, %add3A_342 : i32
      %jit3A_344 = arith.constant 50 : i32
      %div3A_345 = arith.divsi %add3A_343, %jit3A_344 : i32
      %sign3A_346 = arith.constant 0 : i32
      %sign3A_347 = arith.cmpi sgt, %add3A_343, %sign3A_346 : i32
      %sign3A_348 = arith.extui %sign3A_347 : i1 to i32
      %sign3A_349 = arith.constant 0 : i32
      %sign3A_350 = arith.cmpi slt, %add3A_343, %sign3A_349 : i32
      %sign3A_351 = arith.extui %sign3A_350 : i1 to i32
      %sign3A_352 = arith.subi %sign3A_348, %sign3A_351 : i32
      %sign3A_353 = arith.constant 0 : i32
      %sign3A_354 = arith.cmpi sgt, %jit3A_344, %sign3A_353 : i32
      %sign3A_355 = arith.extui %sign3A_354 : i1 to i32
      %sign3A_356 = arith.constant 0 : i32
      %sign3A_357 = arith.cmpi slt, %jit3A_344, %sign3A_356 : i32
      %sign3A_358 = arith.extui %sign3A_357 : i1 to i32
      %sign3A_359 = arith.subi %sign3A_355, %sign3A_358 : i32
      %ne3A_360 = arith.cmpi ne, %sign3A_352, %sign3A_359 : i32
      %rem3A_361 = arith.remsi %add3A_343, %jit3A_344 : i32
      %ne3A_362 = arith.constant 0 : i32
      %ne3A_363 = arith.cmpi ne, %rem3A_361, %ne3A_362 : i32
      %and3A_364 = arith.andi %ne3A_360, %ne3A_363 : i1
      %sub3A_365 = arith.constant 1 : i32
      %sub3A_366 = arith.subi %div3A_345, %sub3A_365 : i32
      %select_n3A_367 = arith.select %and3A_364, %sub3A_366, %div3A_345 : i32
      %mul3A_368 = arith.constant 50 : i32
      %mul3A_369 = arith.muli %select_n3A_367, %mul3A_368 : i32
      %sub3A_370 = arith.subi %add3A_343, %mul3A_369 : i32
      %mul3A_371 = arith.constant 4 : i32
      %mul3A_372 = arith.muli %mul3A_371, %add3A : i32
      %add3A_373 = arith.addi %mul3A_372, %select_n3A_367 : i32
      %dma_start3A_374 = arith.constant 0 : i32
      %dma_start3A_375 = tpu.memref_slice %arg4[%add3A_373, %sub3A_370, %dma_start3A_374] : memref<128x50x18432xf32, #tpu.memory_space<hbm>> -> memref<1x1x18432xf32, #tpu.memory_space<hbm>>
      %dma_start3A_376 = tpu.memref_squeeze %dma_start3A_375 : memref<1x1x18432xf32, #tpu.memory_space<hbm>> -> memref<1x18432xf32, #tpu.memory_space<hbm>>
      %dma_start3A_377 = arith.constant 0 : i32
      %dma_start3A_378 = tpu.memref_slice %arg4[%add3A_373, %sub3A_370, %dma_start3A_377] : memref<128x50x18432xf32, #tpu.memory_space<hbm>> -> memref<1x1x18432xf32, #tpu.memory_space<hbm>>
      %dma_start3A_379 = tpu.memref_squeeze %dma_start3A_378 : memref<1x1x18432xf32, #tpu.memory_space<hbm>> -> memref<1x18432xf32, #tpu.memory_space<hbm>>
      tpu.enqueue_dma source(%arg7 : memref<1x18432xf32, #tpu.memory_space<vmem>>) target(%dma_start3A_379 : memref<1x18432xf32, #tpu.memory_space<hbm>>) target_semaphore(%arg15 : memref<!tpu.dma_semaphore, #tpu.memory_space<semaphore_mem>>)
      %dma_wait3A_380 = arith.constant 0 : i32
      %dma_wait3A_381 = arith.constant 0 : i32
      %dma_wait3A_382 = arith.constant 0 : i32
      %dma_wait3A_383 = tpu.memref_slice %arg4[%dma_wait3A_380, %dma_wait3A_381, %dma_wait3A_382] : memref<128x50x18432xf32, #tpu.memory_space<hbm>> -> memref<1x1x18432xf32, #tpu.memory_space<hbm>>
      %dma_wait3A_384 = tpu.memref_squeeze %dma_wait3A_383 : memref<1x1x18432xf32, #tpu.memory_space<hbm>> -> memref<1x18432xf32, #tpu.memory_space<hbm>>
      %dma_wait3A_385 = arith.constant 0 : i32
      %dma_wait3A_386 = arith.constant 0 : i32
      %dma_wait3A_387 = tpu.memref_slice %arg4[%dma_wait3A_380, %dma_wait3A_385, %dma_wait3A_386] : memref<128x50x18432xf32, #tpu.memory_space<hbm>> -> memref<1x1x18432xf32, #tpu.memory_space<hbm>>
      %dma_wait3A_388 = tpu.memref_squeeze %dma_wait3A_387 : memref<1x1x18432xf32, #tpu.memory_space<hbm>> -> memref<1x18432xf32, #tpu.memory_space<hbm>>
      tpu.wait_dma2 semaphore(%arg15 : memref<!tpu.dma_semaphore, #tpu.memory_space<semaphore_mem>>) src(%arg7 : memref<1x18432xf32, #tpu.memory_space<vmem>>) dst(%dma_wait3A_388 : memref<1x18432xf32, #tpu.memory_space<hbm>>)
      %slice3A_389 = vector.extract_strided_slice %get3A_278 {offsets = [5], sizes = [1], strides = [1]} : vector<16xi32> to vector<1xi32>
      %squeeze3A_390 = vector.extract %slice3A_389[0] : i32 from vector<1xi32>
      %dma_start3A_391 = arith.constant 0 : i32
      %dma_start3A_392 = tpu.memref_slice %arg2[%squeeze3A_390, %dma_start3A_391] : memref<50x18432xf32, #tpu.memory_space<hbm>> -> memref<1x18432xf32, #tpu.memory_space<hbm>>
      %dma_start3A_393 = arith.constant 0 : i32
      %dma_start3A_394 = tpu.memref_slice %arg2[%squeeze3A_390, %dma_start3A_393] : memref<50x18432xf32, #tpu.memory_space<hbm>> -> memref<1x18432xf32, #tpu.memory_space<hbm>>
      tpu.enqueue_dma source(%dma_start3A_394 : memref<1x18432xf32, #tpu.memory_space<hbm>>) target(%arg7 : memref<1x18432xf32, #tpu.memory_space<vmem>>) target_semaphore(%arg11 : memref<!tpu.dma_semaphore, #tpu.memory_space<semaphore_mem>>)
      %dma_wait3A_395 = arith.constant 0 : i32
      %dma_wait3A_396 = arith.constant 0 : i32
      %dma_wait3A_397 = tpu.memref_slice %arg2[%dma_wait3A_395, %dma_wait3A_396] : memref<50x18432xf32, #tpu.memory_space<hbm>> -> memref<1x18432xf32, #tpu.memory_space<hbm>>
      %dma_wait3A_398 = arith.constant 0 : i32
      %dma_wait3A_399 = arith.constant 0 : i32
      %dma_wait3A_400 = tpu.memref_slice %arg2[%dma_wait3A_398, %dma_wait3A_399] : memref<50x18432xf32, #tpu.memory_space<hbm>> -> memref<1x18432xf32, #tpu.memory_space<hbm>>
      tpu.wait_dma2 semaphore(%arg12 : memref<!tpu.dma_semaphore, #tpu.memory_space<semaphore_mem>>) src(%dma_wait3A_400 : memref<1x18432xf32, #tpu.memory_space<hbm>>) dst(%arg8 : memref<1x18432xf32, #tpu.memory_space<vmem>>)
      %add3A_401 = arith.constant 2 : i32
      %add3A_402 = arith.addi %mul3A_275, %add3A_401 : i32
      %jit3A_403 = arith.constant 50 : i32
      %div3A_404 = arith.divsi %add3A_402, %jit3A_403 : i32
      %sign3A_405 = arith.constant 0 : i32
      %sign3A_406 = arith.cmpi sgt, %add3A_402, %sign3A_405 : i32
      %sign3A_407 = arith.extui %sign3A_406 : i1 to i32
      %sign3A_408 = arith.constant 0 : i32
      %sign3A_409 = arith.cmpi slt, %add3A_402, %sign3A_408 : i32
      %sign3A_410 = arith.extui %sign3A_409 : i1 to i32
      %sign3A_411 = arith.subi %sign3A_407, %sign3A_410 : i32
      %sign3A_412 = arith.constant 0 : i32
      %sign3A_413 = arith.cmpi sgt, %jit3A_403, %sign3A_412 : i32
      %sign3A_414 = arith.extui %sign3A_413 : i1 to i32
      %sign3A_415 = arith.constant 0 : i32
      %sign3A_416 = arith.cmpi slt, %jit3A_403, %sign3A_415 : i32
      %sign3A_417 = arith.extui %sign3A_416 : i1 to i32
      %sign3A_418 = arith.subi %sign3A_414, %sign3A_417 : i32
      %ne3A_419 = arith.cmpi ne, %sign3A_411, %sign3A_418 : i32
      %rem3A_420 = arith.remsi %add3A_402, %jit3A_403 : i32
      %ne3A_421 = arith.constant 0 : i32
      %ne3A_422 = arith.cmpi ne, %rem3A_420, %ne3A_421 : i32
      %and3A_423 = arith.andi %ne3A_419, %ne3A_422 : i1
      %sub3A_424 = arith.constant 1 : i32
      %sub3A_425 = arith.subi %div3A_404, %sub3A_424 : i32
      %select_n3A_426 = arith.select %and3A_423, %sub3A_425, %div3A_404 : i32
      %mul3A_427 = arith.constant 50 : i32
      %mul3A_428 = arith.muli %select_n3A_426, %mul3A_427 : i32
      %sub3A_429 = arith.subi %add3A_402, %mul3A_428 : i32
      %mul3A_430 = arith.constant 4 : i32
      %mul3A_431 = arith.muli %mul3A_430, %add3A : i32
      %add3A_432 = arith.addi %mul3A_431, %select_n3A_426 : i32
      %dma_start3A_433 = arith.constant 0 : i32
      %dma_start3A_434 = tpu.memref_slice %arg4[%add3A_432, %sub3A_429, %dma_start3A_433] : memref<128x50x18432xf32, #tpu.memory_space<hbm>> -> memref<1x1x18432xf32, #tpu.memory_space<hbm>>
      %dma_start3A_435 = tpu.memref_squeeze %dma_start3A_434 : memref<1x1x18432xf32, #tpu.memory_space<hbm>> -> memref<1x18432xf32, #tpu.memory_space<hbm>>
      %dma_start3A_436 = arith.constant 0 : i32
      %dma_start3A_437 = tpu.memref_slice %arg4[%add3A_432, %sub3A_429, %dma_start3A_436] : memref<128x50x18432xf32, #tpu.memory_space<hbm>> -> memref<1x1x18432xf32, #tpu.memory_space<hbm>>
      %dma_start3A_438 = tpu.memref_squeeze %dma_start3A_437 : memref<1x1x18432xf32, #tpu.memory_space<hbm>> -> memref<1x18432xf32, #tpu.memory_space<hbm>>
      tpu.enqueue_dma source(%arg8 : memref<1x18432xf32, #tpu.memory_space<vmem>>) target(%dma_start3A_438 : memref<1x18432xf32, #tpu.memory_space<hbm>>) target_semaphore(%arg16 : memref<!tpu.dma_semaphore, #tpu.memory_space<semaphore_mem>>)
      %dma_wait3A_439 = arith.constant 0 : i32
      %dma_wait3A_440 = arith.constant 0 : i32
      %dma_wait3A_441 = arith.constant 0 : i32
      %dma_wait3A_442 = tpu.memref_slice %arg4[%dma_wait3A_439, %dma_wait3A_440, %dma_wait3A_441] : memref<128x50x18432xf32, #tpu.memory_space<hbm>> -> memref<1x1x18432xf32, #tpu.memory_space<hbm>>
      %dma_wait3A_443 = tpu.memref_squeeze %dma_wait3A_442 : memref<1x1x18432xf32, #tpu.memory_space<hbm>> -> memref<1x18432xf32, #tpu.memory_space<hbm>>
      %dma_wait3A_444 = arith.constant 0 : i32
      %dma_wait3A_445 = arith.constant 0 : i32
      %dma_wait3A_446 = tpu.memref_slice %arg4[%dma_wait3A_439, %dma_wait3A_444, %dma_wait3A_445] : memref<128x50x18432xf32, #tpu.memory_space<hbm>> -> memref<1x1x18432xf32, #tpu.memory_space<hbm>>
      %dma_wait3A_447 = tpu.memref_squeeze %dma_wait3A_446 : memref<1x1x18432xf32, #tpu.memory_space<hbm>> -> memref<1x18432xf32, #tpu.memory_space<hbm>>
      tpu.wait_dma2 semaphore(%arg16 : memref<!tpu.dma_semaphore, #tpu.memory_space<semaphore_mem>>) src(%arg8 : memref<1x18432xf32, #tpu.memory_space<vmem>>) dst(%dma_wait3A_447 : memref<1x18432xf32, #tpu.memory_space<hbm>>)
      %slice3A_448 = vector.extract_strided_slice %get3A_278 {offsets = [6], sizes = [1], strides = [1]} : vector<16xi32> to vector<1xi32>
      %squeeze3A_449 = vector.extract %slice3A_448[0] : i32 from vector<1xi32>
      %dma_start3A_450 = arith.constant 0 : i32
      %dma_start3A_451 = tpu.memref_slice %arg2[%squeeze3A_449, %dma_start3A_450] : memref<50x18432xf32, #tpu.memory_space<hbm>> -> memref<1x18432xf32, #tpu.memory_space<hbm>>
      %dma_start3A_452 = arith.constant 0 : i32
      %dma_start3A_453 = tpu.memref_slice %arg2[%squeeze3A_449, %dma_start3A_452] : memref<50x18432xf32, #tpu.memory_space<hbm>> -> memref<1x18432xf32, #tpu.memory_space<hbm>>
      tpu.enqueue_dma source(%dma_start3A_453 : memref<1x18432xf32, #tpu.memory_space<hbm>>) target(%arg8 : memref<1x18432xf32, #tpu.memory_space<vmem>>) target_semaphore(%arg12 : memref<!tpu.dma_semaphore, #tpu.memory_space<semaphore_mem>>)
      %dma_wait3A_454 = arith.constant 0 : i32
      %dma_wait3A_455 = arith.constant 0 : i32
      %dma_wait3A_456 = tpu.memref_slice %arg2[%dma_wait3A_454, %dma_wait3A_455] : memref<50x18432xf32, #tpu.memory_space<hbm>> -> memref<1x18432xf32, #tpu.memory_space<hbm>>
      %dma_wait3A_457 = arith.constant 0 : i32
      %dma_wait3A_458 = arith.constant 0 : i32
      %dma_wait3A_459 = tpu.memref_slice %arg2[%dma_wait3A_457, %dma_wait3A_458] : memref<50x18432xf32, #tpu.memory_space<hbm>> -> memref<1x18432xf32, #tpu.memory_space<hbm>>
      tpu.wait_dma2 semaphore(%arg13 : memref<!tpu.dma_semaphore, #tpu.memory_space<semaphore_mem>>) src(%dma_wait3A_459 : memref<1x18432xf32, #tpu.memory_space<hbm>>) dst(%arg9 : memref<1x18432xf32, #tpu.memory_space<vmem>>)
      %add3A_460 = arith.constant 3 : i32
      %add3A_461 = arith.addi %mul3A_275, %add3A_460 : i32
      %jit3A_462 = arith.constant 50 : i32
      %div3A_463 = arith.divsi %add3A_461, %jit3A_462 : i32
      %sign3A_464 = arith.constant 0 : i32
      %sign3A_465 = arith.cmpi sgt, %add3A_461, %sign3A_464 : i32
      %sign3A_466 = arith.extui %sign3A_465 : i1 to i32
      %sign3A_467 = arith.constant 0 : i32
      %sign3A_468 = arith.cmpi slt, %add3A_461, %sign3A_467 : i32
      %sign3A_469 = arith.extui %sign3A_468 : i1 to i32
      %sign3A_470 = arith.subi %sign3A_466, %sign3A_469 : i32
      %sign3A_471 = arith.constant 0 : i32
      %sign3A_472 = arith.cmpi sgt, %jit3A_462, %sign3A_471 : i32
      %sign3A_473 = arith.extui %sign3A_472 : i1 to i32
      %sign3A_474 = arith.constant 0 : i32
      %sign3A_475 = arith.cmpi slt, %jit3A_462, %sign3A_474 : i32
      %sign3A_476 = arith.extui %sign3A_475 : i1 to i32
      %sign3A_477 = arith.subi %sign3A_473, %sign3A_476 : i32
      %ne3A_478 = arith.cmpi ne, %sign3A_470, %sign3A_477 : i32
      %rem3A_479 = arith.remsi %add3A_461, %jit3A_462 : i32
      %ne3A_480 = arith.constant 0 : i32
      %ne3A_481 = arith.cmpi ne, %rem3A_479, %ne3A_480 : i32
      %and3A_482 = arith.andi %ne3A_478, %ne3A_481 : i1
      %sub3A_483 = arith.constant 1 : i32
      %sub3A_484 = arith.subi %div3A_463, %sub3A_483 : i32
      %select_n3A_485 = arith.select %and3A_482, %sub3A_484, %div3A_463 : i32
      %mul3A_486 = arith.constant 50 : i32
      %mul3A_487 = arith.muli %select_n3A_485, %mul3A_486 : i32
      %sub3A_488 = arith.subi %add3A_461, %mul3A_487 : i32
      %mul3A_489 = arith.constant 4 : i32
      %mul3A_490 = arith.muli %mul3A_489, %add3A : i32
      %add3A_491 = arith.addi %mul3A_490, %select_n3A_485 : i32
      %dma_start3A_492 = arith.constant 0 : i32
      %dma_start3A_493 = tpu.memref_slice %arg4[%add3A_491, %sub3A_488, %dma_start3A_492] : memref<128x50x18432xf32, #tpu.memory_space<hbm>> -> memref<1x1x18432xf32, #tpu.memory_space<hbm>>
      %dma_start3A_494 = tpu.memref_squeeze %dma_start3A_493 : memref<1x1x18432xf32, #tpu.memory_space<hbm>> -> memref<1x18432xf32, #tpu.memory_space<hbm>>
      %dma_start3A_495 = arith.constant 0 : i32
      %dma_start3A_496 = tpu.memref_slice %arg4[%add3A_491, %sub3A_488, %dma_start3A_495] : memref<128x50x18432xf32, #tpu.memory_space<hbm>> -> memref<1x1x18432xf32, #tpu.memory_space<hbm>>
      %dma_start3A_497 = tpu.memref_squeeze %dma_start3A_496 : memref<1x1x18432xf32, #tpu.memory_space<hbm>> -> memref<1x18432xf32, #tpu.memory_space<hbm>>
      tpu.enqueue_dma source(%arg9 : memref<1x18432xf32, #tpu.memory_space<vmem>>) target(%dma_start3A_497 : memref<1x18432xf32, #tpu.memory_space<hbm>>) target_semaphore(%arg17 : memref<!tpu.dma_semaphore, #tpu.memory_space<semaphore_mem>>)
      %dma_wait3A_498 = arith.constant 0 : i32
      %dma_wait3A_499 = arith.constant 0 : i32
      %dma_wait3A_500 = arith.constant 0 : i32
      %dma_wait3A_501 = tpu.memref_slice %arg4[%dma_wait3A_498, %dma_wait3A_499, %dma_wait3A_500] : memref<128x50x18432xf32, #tpu.memory_space<hbm>> -> memref<1x1x18432xf32, #tpu.memory_space<hbm>>
      %dma_wait3A_502 = tpu.memref_squeeze %dma_wait3A_501 : memref<1x1x18432xf32, #tpu.memory_space<hbm>> -> memref<1x18432xf32, #tpu.memory_space<hbm>>
      %dma_wait3A_503 = arith.constant 0 : i32
      %dma_wait3A_504 = arith.constant 0 : i32
      %dma_wait3A_505 = tpu.memref_slice %arg4[%dma_wait3A_498, %dma_wait3A_503, %dma_wait3A_504] : memref<128x50x18432xf32, #tpu.memory_space<hbm>> -> memref<1x1x18432xf32, #tpu.memory_space<hbm>>
      %dma_wait3A_506 = tpu.memref_squeeze %dma_wait3A_505 : memref<1x1x18432xf32, #tpu.memory_space<hbm>> -> memref<1x18432xf32, #tpu.memory_space<hbm>>
      tpu.wait_dma2 semaphore(%arg17 : memref<!tpu.dma_semaphore, #tpu.memory_space<semaphore_mem>>) src(%arg9 : memref<1x18432xf32, #tpu.memory_space<vmem>>) dst(%dma_wait3A_506 : memref<1x18432xf32, #tpu.memory_space<hbm>>)
      %slice3A_507 = vector.extract_strided_slice %get3A_278 {offsets = [7], sizes = [1], strides = [1]} : vector<16xi32> to vector<1xi32>
      %squeeze3A_508 = vector.extract %slice3A_507[0] : i32 from vector<1xi32>
      %dma_start3A_509 = arith.constant 0 : i32
      %dma_start3A_510 = tpu.memref_slice %arg2[%squeeze3A_508, %dma_start3A_509] : memref<50x18432xf32, #tpu.memory_space<hbm>> -> memref<1x18432xf32, #tpu.memory_space<hbm>>
      %dma_start3A_511 = arith.constant 0 : i32
      %dma_start3A_512 = tpu.memref_slice %arg2[%squeeze3A_508, %dma_start3A_511] : memref<50x18432xf32, #tpu.memory_space<hbm>> -> memref<1x18432xf32, #tpu.memory_space<hbm>>
      tpu.enqueue_dma source(%dma_start3A_512 : memref<1x18432xf32, #tpu.memory_space<hbm>>) target(%arg9 : memref<1x18432xf32, #tpu.memory_space<vmem>>) target_semaphore(%arg13 : memref<!tpu.dma_semaphore, #tpu.memory_space<semaphore_mem>>)
      %dma_wait3A_513 = arith.constant 0 : i32
      %dma_wait3A_514 = arith.constant 0 : i32
      %dma_wait3A_515 = tpu.memref_slice %arg2[%dma_wait3A_513, %dma_wait3A_514] : memref<50x18432xf32, #tpu.memory_space<hbm>> -> memref<1x18432xf32, #tpu.memory_space<hbm>>
      %dma_wait3A_516 = arith.constant 0 : i32
      %dma_wait3A_517 = arith.constant 0 : i32
      %dma_wait3A_518 = tpu.memref_slice %arg2[%dma_wait3A_516, %dma_wait3A_517] : memref<50x18432xf32, #tpu.memory_space<hbm>> -> memref<1x18432xf32, #tpu.memory_space<hbm>>
      tpu.wait_dma2 semaphore(%arg10 : memref<!tpu.dma_semaphore, #tpu.memory_space<semaphore_mem>>) src(%dma_wait3A_518 : memref<1x18432xf32, #tpu.memory_space<hbm>>) dst(%arg6 : memref<1x18432xf32, #tpu.memory_space<vmem>>)
      %add3A_519 = arith.constant 4 : i32
      %add3A_520 = arith.addi %mul3A_275, %add3A_519 : i32
      %jit3A_521 = arith.constant 50 : i32
      %div3A_522 = arith.divsi %add3A_520, %jit3A_521 : i32
      %sign3A_523 = arith.constant 0 : i32
      %sign3A_524 = arith.cmpi sgt, %add3A_520, %sign3A_523 : i32
      %sign3A_525 = arith.extui %sign3A_524 : i1 to i32
      %sign3A_526 = arith.constant 0 : i32
      %sign3A_527 = arith.cmpi slt, %add3A_520, %sign3A_526 : i32
      %sign3A_528 = arith.extui %sign3A_527 : i1 to i32
      %sign3A_529 = arith.subi %sign3A_525, %sign3A_528 : i32
      %sign3A_530 = arith.constant 0 : i32
      %sign3A_531 = arith.cmpi sgt, %jit3A_521, %sign3A_530 : i32
      %sign3A_532 = arith.extui %sign3A_531 : i1 to i32
      %sign3A_533 = arith.constant 0 : i32
      %sign3A_534 = arith.cmpi slt, %jit3A_521, %sign3A_533 : i32
      %sign3A_535 = arith.extui %sign3A_534 : i1 to i32
      %sign3A_536 = arith.subi %sign3A_532, %sign3A_535 : i32
      %ne3A_537 = arith.cmpi ne, %sign3A_529, %sign3A_536 : i32
      %rem3A_538 = arith.remsi %add3A_520, %jit3A_521 : i32
      %ne3A_539 = arith.constant 0 : i32
      %ne3A_540 = arith.cmpi ne, %rem3A_538, %ne3A_539 : i32
      %and3A_541 = arith.andi %ne3A_537, %ne3A_540 : i1
      %sub3A_542 = arith.constant 1 : i32
      %sub3A_543 = arith.subi %div3A_522, %sub3A_542 : i32
      %select_n3A_544 = arith.select %and3A_541, %sub3A_543, %div3A_522 : i32
      %mul3A_545 = arith.constant 50 : i32
      %mul3A_546 = arith.muli %select_n3A_544, %mul3A_545 : i32
      %sub3A_547 = arith.subi %add3A_520, %mul3A_546 : i32
      %mul3A_548 = arith.constant 4 : i32
      %mul3A_549 = arith.muli %mul3A_548, %add3A : i32
      %add3A_550 = arith.addi %mul3A_549, %select_n3A_544 : i32
      %dma_start3A_551 = arith.constant 0 : i32
      %dma_start3A_552 = tpu.memref_slice %arg4[%add3A_550, %sub3A_547, %dma_start3A_551] : memref<128x50x18432xf32, #tpu.memory_space<hbm>> -> memref<1x1x18432xf32, #tpu.memory_space<hbm>>
      %dma_start3A_553 = tpu.memref_squeeze %dma_start3A_552 : memref<1x1x18432xf32, #tpu.memory_space<hbm>> -> memref<1x18432xf32, #tpu.memory_space<hbm>>
      %dma_start3A_554 = arith.constant 0 : i32
      %dma_start3A_555 = tpu.memref_slice %arg4[%add3A_550, %sub3A_547, %dma_start3A_554] : memref<128x50x18432xf32, #tpu.memory_space<hbm>> -> memref<1x1x18432xf32, #tpu.memory_space<hbm>>
      %dma_start3A_556 = tpu.memref_squeeze %dma_start3A_555 : memref<1x1x18432xf32, #tpu.memory_space<hbm>> -> memref<1x18432xf32, #tpu.memory_space<hbm>>
      tpu.enqueue_dma source(%arg6 : memref<1x18432xf32, #tpu.memory_space<vmem>>) target(%dma_start3A_556 : memref<1x18432xf32, #tpu.memory_space<hbm>>) target_semaphore(%arg14 : memref<!tpu.dma_semaphore, #tpu.memory_space<semaphore_mem>>)
      %dma_wait3A_557 = arith.constant 0 : i32
      %dma_wait3A_558 = arith.constant 0 : i32
      %dma_wait3A_559 = arith.constant 0 : i32
      %dma_wait3A_560 = tpu.memref_slice %arg4[%dma_wait3A_557, %dma_wait3A_558, %dma_wait3A_559] : memref<128x50x18432xf32, #tpu.memory_space<hbm>> -> memref<1x1x18432xf32, #tpu.memory_space<hbm>>
      %dma_wait3A_561 = tpu.memref_squeeze %dma_wait3A_560 : memref<1x1x18432xf32, #tpu.memory_space<hbm>> -> memref<1x18432xf32, #tpu.memory_space<hbm>>
      %dma_wait3A_562 = arith.constant 0 : i32
      %dma_wait3A_563 = arith.constant 0 : i32
      %dma_wait3A_564 = tpu.memref_slice %arg4[%dma_wait3A_557, %dma_wait3A_562, %dma_wait3A_563] : memref<128x50x18432xf32, #tpu.memory_space<hbm>> -> memref<1x1x18432xf32, #tpu.memory_space<hbm>>
      %dma_wait3A_565 = tpu.memref_squeeze %dma_wait3A_564 : memref<1x1x18432xf32, #tpu.memory_space<hbm>> -> memref<1x18432xf32, #tpu.memory_space<hbm>>
      tpu.wait_dma2 semaphore(%arg14 : memref<!tpu.dma_semaphore, #tpu.memory_space<semaphore_mem>>) src(%arg6 : memref<1x18432xf32, #tpu.memory_space<vmem>>) dst(%dma_wait3A_565 : memref<1x18432xf32, #tpu.memory_space<hbm>>)
      %slice3A_566 = vector.extract_strided_slice %get3A_278 {offsets = [8], sizes = [1], strides = [1]} : vector<16xi32> to vector<1xi32>
      %squeeze3A_567 = vector.extract %slice3A_566[0] : i32 from vector<1xi32>
      %dma_start3A_568 = arith.constant 0 : i32
      %dma_start3A_569 = tpu.memref_slice %arg2[%squeeze3A_567, %dma_start3A_568] : memref<50x18432xf32, #tpu.memory_space<hbm>> -> memref<1x18432xf32, #tpu.memory_space<hbm>>
      %dma_start3A_570 = arith.constant 0 : i32
      %dma_start3A_571 = tpu.memref_slice %arg2[%squeeze3A_567, %dma_start3A_570] : memref<50x18432xf32, #tpu.memory_space<hbm>> -> memref<1x18432xf32, #tpu.memory_space<hbm>>
      tpu.enqueue_dma source(%dma_start3A_571 : memref<1x18432xf32, #tpu.memory_space<hbm>>) target(%arg6 : memref<1x18432xf32, #tpu.memory_space<vmem>>) target_semaphore(%arg10 : memref<!tpu.dma_semaphore, #tpu.memory_space<semaphore_mem>>)
      %dma_wait3A_572 = arith.constant 0 : i32
      %dma_wait3A_573 = arith.constant 0 : i32
      %dma_wait3A_574 = tpu.memref_slice %arg2[%dma_wait3A_572, %dma_wait3A_573] : memref<50x18432xf32, #tpu.memory_space<hbm>> -> memref<1x18432xf32, #tpu.memory_space<hbm>>
      %dma_wait3A_575 = arith.constant 0 : i32
      %dma_wait3A_576 = arith.constant 0 : i32
      %dma_wait3A_577 = tpu.memref_slice %arg2[%dma_wait3A_575, %dma_wait3A_576] : memref<50x18432xf32, #tpu.memory_space<hbm>> -> memref<1x18432xf32, #tpu.memory_space<hbm>>
      tpu.wait_dma2 semaphore(%arg11 : memref<!tpu.dma_semaphore, #tpu.memory_space<semaphore_mem>>) src(%dma_wait3A_577 : memref<1x18432xf32, #tpu.memory_space<hbm>>) dst(%arg7 : memref<1x18432xf32, #tpu.memory_space<vmem>>)
      %add3A_578 = arith.constant 5 : i32
      %add3A_579 = arith.addi %mul3A_275, %add3A_578 : i32
      %jit3A_580 = arith.constant 50 : i32
      %div3A_581 = arith.divsi %add3A_579, %jit3A_580 : i32
      %sign3A_582 = arith.constant 0 : i32
      %sign3A_583 = arith.cmpi sgt, %add3A_579, %sign3A_582 : i32
      %sign3A_584 = arith.extui %sign3A_583 : i1 to i32
      %sign3A_585 = arith.constant 0 : i32
      %sign3A_586 = arith.cmpi slt, %add3A_579, %sign3A_585 : i32
      %sign3A_587 = arith.extui %sign3A_586 : i1 to i32
      %sign3A_588 = arith.subi %sign3A_584, %sign3A_587 : i32
      %sign3A_589 = arith.constant 0 : i32
      %sign3A_590 = arith.cmpi sgt, %jit3A_580, %sign3A_589 : i32
      %sign3A_591 = arith.extui %sign3A_590 : i1 to i32
      %sign3A_592 = arith.constant 0 : i32
      %sign3A_593 = arith.cmpi slt, %jit3A_580, %sign3A_592 : i32
      %sign3A_594 = arith.extui %sign3A_593 : i1 to i32
      %sign3A_595 = arith.subi %sign3A_591, %sign3A_594 : i32
      %ne3A_596 = arith.cmpi ne, %sign3A_588, %sign3A_595 : i32
      %rem3A_597 = arith.remsi %add3A_579, %jit3A_580 : i32
      %ne3A_598 = arith.constant 0 : i32
      %ne3A_599 = arith.cmpi ne, %rem3A_597, %ne3A_598 : i32
      %and3A_600 = arith.andi %ne3A_596, %ne3A_599 : i1
      %sub3A_601 = arith.constant 1 : i32
      %sub3A_602 = arith.subi %div3A_581, %sub3A_601 : i32
      %select_n3A_603 = arith.select %and3A_600, %sub3A_602, %div3A_581 : i32
      %mul3A_604 = arith.constant 50 : i32
      %mul3A_605 = arith.muli %select_n3A_603, %mul3A_604 : i32
      %sub3A_606 = arith.subi %add3A_579, %mul3A_605 : i32
      %mul3A_607 = arith.constant 4 : i32
      %mul3A_608 = arith.muli %mul3A_607, %add3A : i32
      %add3A_609 = arith.addi %mul3A_608, %select_n3A_603 : i32
      %dma_start3A_610 = arith.constant 0 : i32
      %dma_start3A_611 = tpu.memref_slice %arg4[%add3A_609, %sub3A_606, %dma_start3A_610] : memref<128x50x18432xf32, #tpu.memory_space<hbm>> -> memref<1x1x18432xf32, #tpu.memory_space<hbm>>
      %dma_start3A_612 = tpu.memref_squeeze %dma_start3A_611 : memref<1x1x18432xf32, #tpu.memory_space<hbm>> -> memref<1x18432xf32, #tpu.memory_space<hbm>>
      %dma_start3A_613 = arith.constant 0 : i32
      %dma_start3A_614 = tpu.memref_slice %arg4[%add3A_609, %sub3A_606, %dma_start3A_613] : memref<128x50x18432xf32, #tpu.memory_space<hbm>> -> memref<1x1x18432xf32, #tpu.memory_space<hbm>>
      %dma_start3A_615 = tpu.memref_squeeze %dma_start3A_614 : memref<1x1x18432xf32, #tpu.memory_space<hbm>> -> memref<1x18432xf32, #tpu.memory_space<hbm>>
      tpu.enqueue_dma source(%arg7 : memref<1x18432xf32, #tpu.memory_space<vmem>>) target(%dma_start3A_615 : memref<1x18432xf32, #tpu.memory_space<hbm>>) target_semaphore(%arg15 : memref<!tpu.dma_semaphore, #tpu.memory_space<semaphore_mem>>)
      %dma_wait3A_616 = arith.constant 0 : i32
      %dma_wait3A_617 = arith.constant 0 : i32
      %dma_wait3A_618 = arith.constant 0 : i32
      %dma_wait3A_619 = tpu.memref_slice %arg4[%dma_wait3A_616, %dma_wait3A_617, %dma_wait3A_618] : memref<128x50x18432xf32, #tpu.memory_space<hbm>> -> memref<1x1x18432xf32, #tpu.memory_space<hbm>>
      %dma_wait3A_620 = tpu.memref_squeeze %dma_wait3A_619 : memref<1x1x18432xf32, #tpu.memory_space<hbm>> -> memref<1x18432xf32, #tpu.memory_space<hbm>>
      %dma_wait3A_621 = arith.constant 0 : i32
      %dma_wait3A_622 = arith.constant 0 : i32
      %dma_wait3A_623 = tpu.memref_slice %arg4[%dma_wait3A_616, %dma_wait3A_621, %dma_wait3A_622] : memref<128x50x18432xf32, #tpu.memory_space<hbm>> -> memref<1x1x18432xf32, #tpu.memory_space<hbm>>
      %dma_wait3A_624 = tpu.memref_squeeze %dma_wait3A_623 : memref<1x1x18432xf32, #tpu.memory_space<hbm>> -> memref<1x18432xf32, #tpu.memory_space<hbm>>
      tpu.wait_dma2 semaphore(%arg15 : memref<!tpu.dma_semaphore, #tpu.memory_space<semaphore_mem>>) src(%arg7 : memref<1x18432xf32, #tpu.memory_space<vmem>>) dst(%dma_wait3A_624 : memref<1x18432xf32, #tpu.memory_space<hbm>>)
      %slice3A_625 = vector.extract_strided_slice %get3A_278 {offsets = [9], sizes = [1], strides = [1]} : vector<16xi32> to vector<1xi32>
      %squeeze3A_626 = vector.extract %slice3A_625[0] : i32 from vector<1xi32>
      %dma_start3A_627 = arith.constant 0 : i32
      %dma_start3A_628 = tpu.memref_slice %arg2[%squeeze3A_626, %dma_start3A_627] : memref<50x18432xf32, #tpu.memory_space<hbm>> -> memref<1x18432xf32, #tpu.memory_space<hbm>>
      %dma_start3A_629 = arith.constant 0 : i32
      %dma_start3A_630 = tpu.memref_slice %arg2[%squeeze3A_626, %dma_start3A_629] : memref<50x18432xf32, #tpu.memory_space<hbm>> -> memref<1x18432xf32, #tpu.memory_space<hbm>>
      tpu.enqueue_dma source(%dma_start3A_630 : memref<1x18432xf32, #tpu.memory_space<hbm>>) target(%arg7 : memref<1x18432xf32, #tpu.memory_space<vmem>>) target_semaphore(%arg11 : memref<!tpu.dma_semaphore, #tpu.memory_space<semaphore_mem>>)
      %dma_wait3A_631 = arith.constant 0 : i32
      %dma_wait3A_632 = arith.constant 0 : i32
      %dma_wait3A_633 = tpu.memref_slice %arg2[%dma_wait3A_631, %dma_wait3A_632] : memref<50x18432xf32, #tpu.memory_space<hbm>> -> memref<1x18432xf32, #tpu.memory_space<hbm>>
      %dma_wait3A_634 = arith.constant 0 : i32
      %dma_wait3A_635 = arith.constant 0 : i32
      %dma_wait3A_636 = tpu.memref_slice %arg2[%dma_wait3A_634, %dma_wait3A_635] : memref<50x18432xf32, #tpu.memory_space<hbm>> -> memref<1x18432xf32, #tpu.memory_space<hbm>>
      tpu.wait_dma2 semaphore(%arg12 : memref<!tpu.dma_semaphore, #tpu.memory_space<semaphore_mem>>) src(%dma_wait3A_636 : memref<1x18432xf32, #tpu.memory_space<hbm>>) dst(%arg8 : memref<1x18432xf32, #tpu.memory_space<vmem>>)
      %add3A_637 = arith.constant 6 : i32
      %add3A_638 = arith.addi %mul3A_275, %add3A_637 : i32
      %jit3A_639 = arith.constant 50 : i32
      %div3A_640 = arith.divsi %add3A_638, %jit3A_639 : i32
      %sign3A_641 = arith.constant 0 : i32
      %sign3A_642 = arith.cmpi sgt, %add3A_638, %sign3A_641 : i32
      %sign3A_643 = arith.extui %sign3A_642 : i1 to i32
      %sign3A_644 = arith.constant 0 : i32
      %sign3A_645 = arith.cmpi slt, %add3A_638, %sign3A_644 : i32
      %sign3A_646 = arith.extui %sign3A_645 : i1 to i32
      %sign3A_647 = arith.subi %sign3A_643, %sign3A_646 : i32
      %sign3A_648 = arith.constant 0 : i32
      %sign3A_649 = arith.cmpi sgt, %jit3A_639, %sign3A_648 : i32
      %sign3A_650 = arith.extui %sign3A_649 : i1 to i32
      %sign3A_651 = arith.constant 0 : i32
      %sign3A_652 = arith.cmpi slt, %jit3A_639, %sign3A_651 : i32
      %sign3A_653 = arith.extui %sign3A_652 : i1 to i32
      %sign3A_654 = arith.subi %sign3A_650, %sign3A_653 : i32
      %ne3A_655 = arith.cmpi ne, %sign3A_647, %sign3A_654 : i32
      %rem3A_656 = arith.remsi %add3A_638, %jit3A_639 : i32
      %ne3A_657 = arith.constant 0 : i32
      %ne3A_658 = arith.cmpi ne, %rem3A_656, %ne3A_657 : i32
      %and3A_659 = arith.andi %ne3A_655, %ne3A_658 : i1
      %sub3A_660 = arith.constant 1 : i32
      %sub3A_661 = arith.subi %div3A_640, %sub3A_660 : i32
      %select_n3A_662 = arith.select %and3A_659, %sub3A_661, %div3A_640 : i32
      %mul3A_663 = arith.constant 50 : i32
      %mul3A_664 = arith.muli %select_n3A_662, %mul3A_663 : i32
      %sub3A_665 = arith.subi %add3A_638, %mul3A_664 : i32
      %mul3A_666 = arith.constant 4 : i32
      %mul3A_667 = arith.muli %mul3A_666, %add3A : i32
      %add3A_668 = arith.addi %mul3A_667, %select_n3A_662 : i32
      %dma_start3A_669 = arith.constant 0 : i32
      %dma_start3A_670 = tpu.memref_slice %arg4[%add3A_668, %sub3A_665, %dma_start3A_669] : memref<128x50x18432xf32, #tpu.memory_space<hbm>> -> memref<1x1x18432xf32, #tpu.memory_space<hbm>>
      %dma_start3A_671 = tpu.memref_squeeze %dma_start3A_670 : memref<1x1x18432xf32, #tpu.memory_space<hbm>> -> memref<1x18432xf32, #tpu.memory_space<hbm>>
      %dma_start3A_672 = arith.constant 0 : i32
      %dma_start3A_673 = tpu.memref_slice %arg4[%add3A_668, %sub3A_665, %dma_start3A_672] : memref<128x50x18432xf32, #tpu.memory_space<hbm>> -> memref<1x1x18432xf32, #tpu.memory_space<hbm>>
      %dma_start3A_674 = tpu.memref_squeeze %dma_start3A_673 : memref<1x1x18432xf32, #tpu.memory_space<hbm>> -> memref<1x18432xf32, #tpu.memory_space<hbm>>
      tpu.enqueue_dma source(%arg8 : memref<1x18432xf32, #tpu.memory_space<vmem>>) target(%dma_start3A_674 : memref<1x18432xf32, #tpu.memory_space<hbm>>) target_semaphore(%arg16 : memref<!tpu.dma_semaphore, #tpu.memory_space<semaphore_mem>>)
      %dma_wait3A_675 = arith.constant 0 : i32
      %dma_wait3A_676 = arith.constant 0 : i32
      %dma_wait3A_677 = arith.constant 0 : i32
      %dma_wait3A_678 = tpu.memref_slice %arg4[%dma_wait3A_675, %dma_wait3A_676, %dma_wait3A_677] : memref<128x50x18432xf32, #tpu.memory_space<hbm>> -> memref<1x1x18432xf32, #tpu.memory_space<hbm>>
      %dma_wait3A_679 = tpu.memref_squeeze %dma_wait3A_678 : memref<1x1x18432xf32, #tpu.memory_space<hbm>> -> memref<1x18432xf32, #tpu.memory_space<hbm>>
      %dma_wait3A_680 = arith.constant 0 : i32
      %dma_wait3A_681 = arith.constant 0 : i32
      %dma_wait3A_682 = tpu.memref_slice %arg4[%dma_wait3A_675, %dma_wait3A_680, %dma_wait3A_681] : memref<128x50x18432xf32, #tpu.memory_space<hbm>> -> memref<1x1x18432xf32, #tpu.memory_space<hbm>>
      %dma_wait3A_683 = tpu.memref_squeeze %dma_wait3A_682 : memref<1x1x18432xf32, #tpu.memory_space<hbm>> -> memref<1x18432xf32, #tpu.memory_space<hbm>>
      tpu.wait_dma2 semaphore(%arg16 : memref<!tpu.dma_semaphore, #tpu.memory_space<semaphore_mem>>) src(%arg8 : memref<1x18432xf32, #tpu.memory_space<vmem>>) dst(%dma_wait3A_683 : memref<1x18432xf32, #tpu.memory_space<hbm>>)
      %slice3A_684 = vector.extract_strided_slice %get3A_278 {offsets = [10], sizes = [1], strides = [1]} : vector<16xi32> to vector<1xi32>
      %squeeze3A_685 = vector.extract %slice3A_684[0] : i32 from vector<1xi32>
      %dma_start3A_686 = arith.constant 0 : i32
      %dma_start3A_687 = tpu.memref_slice %arg2[%squeeze3A_685, %dma_start3A_686] : memref<50x18432xf32, #tpu.memory_space<hbm>> -> memref<1x18432xf32, #tpu.memory_space<hbm>>
      %dma_start3A_688 = arith.constant 0 : i32
      %dma_start3A_689 = tpu.memref_slice %arg2[%squeeze3A_685, %dma_start3A_688] : memref<50x18432xf32, #tpu.memory_space<hbm>> -> memref<1x18432xf32, #tpu.memory_space<hbm>>
      tpu.enqueue_dma source(%dma_start3A_689 : memref<1x18432xf32, #tpu.memory_space<hbm>>) target(%arg8 : memref<1x18432xf32, #tpu.memory_space<vmem>>) target_semaphore(%arg12 : memref<!tpu.dma_semaphore, #tpu.memory_space<semaphore_mem>>)
      %dma_wait3A_690 = arith.constant 0 : i32
      %dma_wait3A_691 = arith.constant 0 : i32
      %dma_wait3A_692 = tpu.memref_slice %arg2[%dma_wait3A_690, %dma_wait3A_691] : memref<50x18432xf32, #tpu.memory_space<hbm>> -> memref<1x18432xf32, #tpu.memory_space<hbm>>
      %dma_wait3A_693 = arith.constant 0 : i32
      %dma_wait3A_694 = arith.constant 0 : i32
      %dma_wait3A_695 = tpu.memref_slice %arg2[%dma_wait3A_693, %dma_wait3A_694] : memref<50x18432xf32, #tpu.memory_space<hbm>> -> memref<1x18432xf32, #tpu.memory_space<hbm>>
      tpu.wait_dma2 semaphore(%arg13 : memref<!tpu.dma_semaphore, #tpu.memory_space<semaphore_mem>>) src(%dma_wait3A_695 : memref<1x18432xf32, #tpu.memory_space<hbm>>) dst(%arg9 : memref<1x18432xf32, #tpu.memory_space<vmem>>)
      %add3A_696 = arith.constant 7 : i32
      %add3A_697 = arith.addi %mul3A_275, %add3A_696 : i32
      %jit3A_698 = arith.constant 50 : i32
      %div3A_699 = arith.divsi %add3A_697, %jit3A_698 : i32
      %sign3A_700 = arith.constant 0 : i32
      %sign3A_701 = arith.cmpi sgt, %add3A_697, %sign3A_700 : i32
      %sign3A_702 = arith.extui %sign3A_701 : i1 to i32
      %sign3A_703 = arith.constant 0 : i32
      %sign3A_704 = arith.cmpi slt, %add3A_697, %sign3A_703 : i32
      %sign3A_705 = arith.extui %sign3A_704 : i1 to i32
      %sign3A_706 = arith.subi %sign3A_702, %sign3A_705 : i32
      %sign3A_707 = arith.constant 0 : i32
      %sign3A_708 = arith.cmpi sgt, %jit3A_698, %sign3A_707 : i32
      %sign3A_709 = arith.extui %sign3A_708 : i1 to i32
      %sign3A_710 = arith.constant 0 : i32
      %sign3A_711 = arith.cmpi slt, %jit3A_698, %sign3A_710 : i32
      %sign3A_712 = arith.extui %sign3A_711 : i1 to i32
      %sign3A_713 = arith.subi %sign3A_709, %sign3A_712 : i32
      %ne3A_714 = arith.cmpi ne, %sign3A_706, %sign3A_713 : i32
      %rem3A_715 = arith.remsi %add3A_697, %jit3A_698 : i32
      %ne3A_716 = arith.constant 0 : i32
      %ne3A_717 = arith.cmpi ne, %rem3A_715, %ne3A_716 : i32
      %and3A_718 = arith.andi %ne3A_714, %ne3A_717 : i1
      %sub3A_719 = arith.constant 1 : i32
      %sub3A_720 = arith.subi %div3A_699, %sub3A_719 : i32
      %select_n3A_721 = arith.select %and3A_718, %sub3A_720, %div3A_699 : i32
      %mul3A_722 = arith.constant 50 : i32
      %mul3A_723 = arith.muli %select_n3A_721, %mul3A_722 : i32
      %sub3A_724 = arith.subi %add3A_697, %mul3A_723 : i32
      %mul3A_725 = arith.constant 4 : i32
      %mul3A_726 = arith.muli %mul3A_725, %add3A : i32
      %add3A_727 = arith.addi %mul3A_726, %select_n3A_721 : i32
      %dma_start3A_728 = arith.constant 0 : i32
      %dma_start3A_729 = tpu.memref_slice %arg4[%add3A_727, %sub3A_724, %dma_start3A_728] : memref<128x50x18432xf32, #tpu.memory_space<hbm>> -> memref<1x1x18432xf32, #tpu.memory_space<hbm>>
      %dma_start3A_730 = tpu.memref_squeeze %dma_start3A_729 : memref<1x1x18432xf32, #tpu.memory_space<hbm>> -> memref<1x18432xf32, #tpu.memory_space<hbm>>
      %dma_start3A_731 = arith.constant 0 : i32
      %dma_start3A_732 = tpu.memref_slice %arg4[%add3A_727, %sub3A_724, %dma_start3A_731] : memref<128x50x18432xf32, #tpu.memory_space<hbm>> -> memref<1x1x18432xf32, #tpu.memory_space<hbm>>
      %dma_start3A_733 = tpu.memref_squeeze %dma_start3A_732 : memref<1x1x18432xf32, #tpu.memory_space<hbm>> -> memref<1x18432xf32, #tpu.memory_space<hbm>>
      tpu.enqueue_dma source(%arg9 : memref<1x18432xf32, #tpu.memory_space<vmem>>) target(%dma_start3A_733 : memref<1x18432xf32, #tpu.memory_space<hbm>>) target_semaphore(%arg17 : memref<!tpu.dma_semaphore, #tpu.memory_space<semaphore_mem>>)
      %dma_wait3A_734 = arith.constant 0 : i32
      %dma_wait3A_735 = arith.constant 0 : i32
      %dma_wait3A_736 = arith.constant 0 : i32
      %dma_wait3A_737 = tpu.memref_slice %arg4[%dma_wait3A_734, %dma_wait3A_735, %dma_wait3A_736] : memref<128x50x18432xf32, #tpu.memory_space<hbm>> -> memref<1x1x18432xf32, #tpu.memory_space<hbm>>
      %dma_wait3A_738 = tpu.memref_squeeze %dma_wait3A_737 : memref<1x1x18432xf32, #tpu.memory_space<hbm>> -> memref<1x18432xf32, #tpu.memory_space<hbm>>
      %dma_wait3A_739 = arith.constant 0 : i32
      %dma_wait3A_740 = arith.constant 0 : i32
      %dma_wait3A_741 = tpu.memref_slice %arg4[%dma_wait3A_734, %dma_wait3A_739, %dma_wait3A_740] : memref<128x50x18432xf32, #tpu.memory_space<hbm>> -> memref<1x1x18432xf32, #tpu.memory_space<hbm>>
      %dma_wait3A_742 = tpu.memref_squeeze %dma_wait3A_741 : memref<1x1x18432xf32, #tpu.memory_space<hbm>> -> memref<1x18432xf32, #tpu.memory_space<hbm>>
      tpu.wait_dma2 semaphore(%arg17 : memref<!tpu.dma_semaphore, #tpu.memory_space<semaphore_mem>>) src(%arg9 : memref<1x18432xf32, #tpu.memory_space<vmem>>) dst(%dma_wait3A_742 : memref<1x18432xf32, #tpu.memory_space<hbm>>)
      %slice3A_743 = vector.extract_strided_slice %get3A_278 {offsets = [11], sizes = [1], strides = [1]} : vector<16xi32> to vector<1xi32>
      %squeeze3A_744 = vector.extract %slice3A_743[0] : i32 from vector<1xi32>
      %dma_start3A_745 = arith.constant 0 : i32
      %dma_start3A_746 = tpu.memref_slice %arg2[%squeeze3A_744, %dma_start3A_745] : memref<50x18432xf32, #tpu.memory_space<hbm>> -> memref<1x18432xf32, #tpu.memory_space<hbm>>
      %dma_start3A_747 = arith.constant 0 : i32
      %dma_start3A_748 = tpu.memref_slice %arg2[%squeeze3A_744, %dma_start3A_747] : memref<50x18432xf32, #tpu.memory_space<hbm>> -> memref<1x18432xf32, #tpu.memory_space<hbm>>
      tpu.enqueue_dma source(%dma_start3A_748 : memref<1x18432xf32, #tpu.memory_space<hbm>>) target(%arg9 : memref<1x18432xf32, #tpu.memory_space<vmem>>) target_semaphore(%arg13 : memref<!tpu.dma_semaphore, #tpu.memory_space<semaphore_mem>>)
      %dma_wait3A_749 = arith.constant 0 : i32
      %dma_wait3A_750 = arith.constant 0 : i32
      %dma_wait3A_751 = tpu.memref_slice %arg2[%dma_wait3A_749, %dma_wait3A_750] : memref<50x18432xf32, #tpu.memory_space<hbm>> -> memref<1x18432xf32, #tpu.memory_space<hbm>>
      %dma_wait3A_752 = arith.constant 0 : i32
      %dma_wait3A_753 = arith.constant 0 : i32
      %dma_wait3A_754 = tpu.memref_slice %arg2[%dma_wait3A_752, %dma_wait3A_753] : memref<50x18432xf32, #tpu.memory_space<hbm>> -> memref<1x18432xf32, #tpu.memory_space<hbm>>
      tpu.wait_dma2 semaphore(%arg10 : memref<!tpu.dma_semaphore, #tpu.memory_space<semaphore_mem>>) src(%dma_wait3A_754 : memref<1x18432xf32, #tpu.memory_space<hbm>>) dst(%arg6 : memref<1x18432xf32, #tpu.memory_space<vmem>>)
      %add3A_755 = arith.constant 8 : i32
      %add3A_756 = arith.addi %mul3A_275, %add3A_755 : i32
      %jit3A_757 = arith.constant 50 : i32
      %div3A_758 = arith.divsi %add3A_756, %jit3A_757 : i32
      %sign3A_759 = arith.constant 0 : i32
      %sign3A_760 = arith.cmpi sgt, %add3A_756, %sign3A_759 : i32
      %sign3A_761 = arith.extui %sign3A_760 : i1 to i32
      %sign3A_762 = arith.constant 0 : i32
      %sign3A_763 = arith.cmpi slt, %add3A_756, %sign3A_762 : i32
      %sign3A_764 = arith.extui %sign3A_763 : i1 to i32
      %sign3A_765 = arith.subi %sign3A_761, %sign3A_764 : i32
      %sign3A_766 = arith.constant 0 : i32
      %sign3A_767 = arith.cmpi sgt, %jit3A_757, %sign3A_766 : i32
      %sign3A_768 = arith.extui %sign3A_767 : i1 to i32
      %sign3A_769 = arith.constant 0 : i32
      %sign3A_770 = arith.cmpi slt, %jit3A_757, %sign3A_769 : i32
      %sign3A_771 = arith.extui %sign3A_770 : i1 to i32
      %sign3A_772 = arith.subi %sign3A_768, %sign3A_771 : i32
      %ne3A_773 = arith.cmpi ne, %sign3A_765, %sign3A_772 : i32
      %rem3A_774 = arith.remsi %add3A_756, %jit3A_757 : i32
      %ne3A_775 = arith.constant 0 : i32
      %ne3A_776 = arith.cmpi ne, %rem3A_774, %ne3A_775 : i32
      %and3A_777 = arith.andi %ne3A_773, %ne3A_776 : i1
      %sub3A_778 = arith.constant 1 : i32
      %sub3A_779 = arith.subi %div3A_758, %sub3A_778 : i32
      %select_n3A_780 = arith.select %and3A_777, %sub3A_779, %div3A_758 : i32
      %mul3A_781 = arith.constant 50 : i32
      %mul3A_782 = arith.muli %select_n3A_780, %mul3A_781 : i32
      %sub3A_783 = arith.subi %add3A_756, %mul3A_782 : i32
      %mul3A_784 = arith.constant 4 : i32
      %mul3A_785 = arith.muli %mul3A_784, %add3A : i32
      %add3A_786 = arith.addi %mul3A_785, %select_n3A_780 : i32
      %dma_start3A_787 = arith.constant 0 : i32
      %dma_start3A_788 = tpu.memref_slice %arg4[%add3A_786, %sub3A_783, %dma_start3A_787] : memref<128x50x18432xf32, #tpu.memory_space<hbm>> -> memref<1x1x18432xf32, #tpu.memory_space<hbm>>
      %dma_start3A_789 = tpu.memref_squeeze %dma_start3A_788 : memref<1x1x18432xf32, #tpu.memory_space<hbm>> -> memref<1x18432xf32, #tpu.memory_space<hbm>>
      %dma_start3A_790 = arith.constant 0 : i32
      %dma_start3A_791 = tpu.memref_slice %arg4[%add3A_786, %sub3A_783, %dma_start3A_790] : memref<128x50x18432xf32, #tpu.memory_space<hbm>> -> memref<1x1x18432xf32, #tpu.memory_space<hbm>>
      %dma_start3A_792 = tpu.memref_squeeze %dma_start3A_791 : memref<1x1x18432xf32, #tpu.memory_space<hbm>> -> memref<1x18432xf32, #tpu.memory_space<hbm>>
      tpu.enqueue_dma source(%arg6 : memref<1x18432xf32, #tpu.memory_space<vmem>>) target(%dma_start3A_792 : memref<1x18432xf32, #tpu.memory_space<hbm>>) target_semaphore(%arg14 : memref<!tpu.dma_semaphore, #tpu.memory_space<semaphore_mem>>)
      %dma_wait3A_793 = arith.constant 0 : i32
      %dma_wait3A_794 = arith.constant 0 : i32
      %dma_wait3A_795 = arith.constant 0 : i32
      %dma_wait3A_796 = tpu.memref_slice %arg4[%dma_wait3A_793, %dma_wait3A_794, %dma_wait3A_795] : memref<128x50x18432xf32, #tpu.memory_space<hbm>> -> memref<1x1x18432xf32, #tpu.memory_space<hbm>>
      %dma_wait3A_797 = tpu.memref_squeeze %dma_wait3A_796 : memref<1x1x18432xf32, #tpu.memory_space<hbm>> -> memref<1x18432xf32, #tpu.memory_space<hbm>>
      %dma_wait3A_798 = arith.constant 0 : i32
      %dma_wait3A_799 = arith.constant 0 : i32
      %dma_wait3A_800 = tpu.memref_slice %arg4[%dma_wait3A_793, %dma_wait3A_798, %dma_wait3A_799] : memref<128x50x18432xf32, #tpu.memory_space<hbm>> -> memref<1x1x18432xf32, #tpu.memory_space<hbm>>
      %dma_wait3A_801 = tpu.memref_squeeze %dma_wait3A_800 : memref<1x1x18432xf32, #tpu.memory_space<hbm>> -> memref<1x18432xf32, #tpu.memory_space<hbm>>
      tpu.wait_dma2 semaphore(%arg14 : memref<!tpu.dma_semaphore, #tpu.memory_space<semaphore_mem>>) src(%arg6 : memref<1x18432xf32, #tpu.memory_space<vmem>>) dst(%dma_wait3A_801 : memref<1x18432xf32, #tpu.memory_space<hbm>>)
      %slice3A_802 = vector.extract_strided_slice %get3A_278 {offsets = [12], sizes = [1], strides = [1]} : vector<16xi32> to vector<1xi32>
      %squeeze3A_803 = vector.extract %slice3A_802[0] : i32 from vector<1xi32>
      %dma_start3A_804 = arith.constant 0 : i32
      %dma_start3A_805 = tpu.memref_slice %arg2[%squeeze3A_803, %dma_start3A_804] : memref<50x18432xf32, #tpu.memory_space<hbm>> -> memref<1x18432xf32, #tpu.memory_space<hbm>>
      %dma_start3A_806 = arith.constant 0 : i32
      %dma_start3A_807 = tpu.memref_slice %arg2[%squeeze3A_803, %dma_start3A_806] : memref<50x18432xf32, #tpu.memory_space<hbm>> -> memref<1x18432xf32, #tpu.memory_space<hbm>>
      tpu.enqueue_dma source(%dma_start3A_807 : memref<1x18432xf32, #tpu.memory_space<hbm>>) target(%arg6 : memref<1x18432xf32, #tpu.memory_space<vmem>>) target_semaphore(%arg10 : memref<!tpu.dma_semaphore, #tpu.memory_space<semaphore_mem>>)
      %dma_wait3A_808 = arith.constant 0 : i32
      %dma_wait3A_809 = arith.constant 0 : i32
      %dma_wait3A_810 = tpu.memref_slice %arg2[%dma_wait3A_808, %dma_wait3A_809] : memref<50x18432xf32, #tpu.memory_space<hbm>> -> memref<1x18432xf32, #tpu.memory_space<hbm>>
      %dma_wait3A_811 = arith.constant 0 : i32
      %dma_wait3A_812 = arith.constant 0 : i32
      %dma_wait3A_813 = tpu.memref_slice %arg2[%dma_wait3A_811, %dma_wait3A_812] : memref<50x18432xf32, #tpu.memory_space<hbm>> -> memref<1x18432xf32, #tpu.memory_space<hbm>>
      tpu.wait_dma2 semaphore(%arg11 : memref<!tpu.dma_semaphore, #tpu.memory_space<semaphore_mem>>) src(%dma_wait3A_813 : memref<1x18432xf32, #tpu.memory_space<hbm>>) dst(%arg7 : memref<1x18432xf32, #tpu.memory_space<vmem>>)
      %add3A_814 = arith.constant 9 : i32
      %add3A_815 = arith.addi %mul3A_275, %add3A_814 : i32
      %jit3A_816 = arith.constant 50 : i32
      %div3A_817 = arith.divsi %add3A_815, %jit3A_816 : i32
      %sign3A_818 = arith.constant 0 : i32
      %sign3A_819 = arith.cmpi sgt, %add3A_815, %sign3A_818 : i32
      %sign3A_820 = arith.extui %sign3A_819 : i1 to i32
      %sign3A_821 = arith.constant 0 : i32
      %sign3A_822 = arith.cmpi slt, %add3A_815, %sign3A_821 : i32
      %sign3A_823 = arith.extui %sign3A_822 : i1 to i32
      %sign3A_824 = arith.subi %sign3A_820, %sign3A_823 : i32
      %sign3A_825 = arith.constant 0 : i32
      %sign3A_826 = arith.cmpi sgt, %jit3A_816, %sign3A_825 : i32
      %sign3A_827 = arith.extui %sign3A_826 : i1 to i32
      %sign3A_828 = arith.constant 0 : i32
      %sign3A_829 = arith.cmpi slt, %jit3A_816, %sign3A_828 : i32
      %sign3A_830 = arith.extui %sign3A_829 : i1 to i32
      %sign3A_831 = arith.subi %sign3A_827, %sign3A_830 : i32
      %ne3A_832 = arith.cmpi ne, %sign3A_824, %sign3A_831 : i32
      %rem3A_833 = arith.remsi %add3A_815, %jit3A_816 : i32
      %ne3A_834 = arith.constant 0 : i32
      %ne3A_835 = arith.cmpi ne, %rem3A_833, %ne3A_834 : i32
      %and3A_836 = arith.andi %ne3A_832, %ne3A_835 : i1
      %sub3A_837 = arith.constant 1 : i32
      %sub3A_838 = arith.subi %div3A_817, %sub3A_837 : i32
      %select_n3A_839 = arith.select %and3A_836, %sub3A_838, %div3A_817 : i32
      %mul3A_840 = arith.constant 50 : i32
      %mul3A_841 = arith.muli %select_n3A_839, %mul3A_840 : i32
      %sub3A_842 = arith.subi %add3A_815, %mul3A_841 : i32
      %mul3A_843 = arith.constant 4 : i32
      %mul3A_844 = arith.muli %mul3A_843, %add3A : i32
      %add3A_845 = arith.addi %mul3A_844, %select_n3A_839 : i32
      %dma_start3A_846 = arith.constant 0 : i32
      %dma_start3A_847 = tpu.memref_slice %arg4[%add3A_845, %sub3A_842, %dma_start3A_846] : memref<128x50x18432xf32, #tpu.memory_space<hbm>> -> memref<1x1x18432xf32, #tpu.memory_space<hbm>>
      %dma_start3A_848 = tpu.memref_squeeze %dma_start3A_847 : memref<1x1x18432xf32, #tpu.memory_space<hbm>> -> memref<1x18432xf32, #tpu.memory_space<hbm>>
      %dma_start3A_849 = arith.constant 0 : i32
      %dma_start3A_850 = tpu.memref_slice %arg4[%add3A_845, %sub3A_842, %dma_start3A_849] : memref<128x50x18432xf32, #tpu.memory_space<hbm>> -> memref<1x1x18432xf32, #tpu.memory_space<hbm>>
      %dma_start3A_851 = tpu.memref_squeeze %dma_start3A_850 : memref<1x1x18432xf32, #tpu.memory_space<hbm>> -> memref<1x18432xf32, #tpu.memory_space<hbm>>
      tpu.enqueue_dma source(%arg7 : memref<1x18432xf32, #tpu.memory_space<vmem>>) target(%dma_start3A_851 : memref<1x18432xf32, #tpu.memory_space<hbm>>) target_semaphore(%arg15 : memref<!tpu.dma_semaphore, #tpu.memory_space<semaphore_mem>>)
      %dma_wait3A_852 = arith.constant 0 : i32
      %dma_wait3A_853 = arith.constant 0 : i32
      %dma_wait3A_854 = arith.constant 0 : i32
      %dma_wait3A_855 = tpu.memref_slice %arg4[%dma_wait3A_852, %dma_wait3A_853, %dma_wait3A_854] : memref<128x50x18432xf32, #tpu.memory_space<hbm>> -> memref<1x1x18432xf32, #tpu.memory_space<hbm>>
      %dma_wait3A_856 = tpu.memref_squeeze %dma_wait3A_855 : memref<1x1x18432xf32, #tpu.memory_space<hbm>> -> memref<1x18432xf32, #tpu.memory_space<hbm>>
      %dma_wait3A_857 = arith.constant 0 : i32
      %dma_wait3A_858 = arith.constant 0 : i32
      %dma_wait3A_859 = tpu.memref_slice %arg4[%dma_wait3A_852, %dma_wait3A_857, %dma_wait3A_858] : memref<128x50x18432xf32, #tpu.memory_space<hbm>> -> memref<1x1x18432xf32, #tpu.memory_space<hbm>>
      %dma_wait3A_860 = tpu.memref_squeeze %dma_wait3A_859 : memref<1x1x18432xf32, #tpu.memory_space<hbm>> -> memref<1x18432xf32, #tpu.memory_space<hbm>>
      tpu.wait_dma2 semaphore(%arg15 : memref<!tpu.dma_semaphore, #tpu.memory_space<semaphore_mem>>) src(%arg7 : memref<1x18432xf32, #tpu.memory_space<vmem>>) dst(%dma_wait3A_860 : memref<1x18432xf32, #tpu.memory_space<hbm>>)
      %slice3A_861 = vector.extract_strided_slice %get3A_278 {offsets = [13], sizes = [1], strides = [1]} : vector<16xi32> to vector<1xi32>
      %squeeze3A_862 = vector.extract %slice3A_861[0] : i32 from vector<1xi32>
      %dma_start3A_863 = arith.constant 0 : i32
      %dma_start3A_864 = tpu.memref_slice %arg2[%squeeze3A_862, %dma_start3A_863] : memref<50x18432xf32, #tpu.memory_space<hbm>> -> memref<1x18432xf32, #tpu.memory_space<hbm>>
      %dma_start3A_865 = arith.constant 0 : i32
      %dma_start3A_866 = tpu.memref_slice %arg2[%squeeze3A_862, %dma_start3A_865] : memref<50x18432xf32, #tpu.memory_space<hbm>> -> memref<1x18432xf32, #tpu.memory_space<hbm>>
      tpu.enqueue_dma source(%dma_start3A_866 : memref<1x18432xf32, #tpu.memory_space<hbm>>) target(%arg7 : memref<1x18432xf32, #tpu.memory_space<vmem>>) target_semaphore(%arg11 : memref<!tpu.dma_semaphore, #tpu.memory_space<semaphore_mem>>)
      %dma_wait3A_867 = arith.constant 0 : i32
      %dma_wait3A_868 = arith.constant 0 : i32
      %dma_wait3A_869 = tpu.memref_slice %arg2[%dma_wait3A_867, %dma_wait3A_868] : memref<50x18432xf32, #tpu.memory_space<hbm>> -> memref<1x18432xf32, #tpu.memory_space<hbm>>
      %dma_wait3A_870 = arith.constant 0 : i32
      %dma_wait3A_871 = arith.constant 0 : i32
      %dma_wait3A_872 = tpu.memref_slice %arg2[%dma_wait3A_870, %dma_wait3A_871] : memref<50x18432xf32, #tpu.memory_space<hbm>> -> memref<1x18432xf32, #tpu.memory_space<hbm>>
      tpu.wait_dma2 semaphore(%arg12 : memref<!tpu.dma_semaphore, #tpu.memory_space<semaphore_mem>>) src(%dma_wait3A_872 : memref<1x18432xf32, #tpu.memory_space<hbm>>) dst(%arg8 : memref<1x18432xf32, #tpu.memory_space<vmem>>)
      %add3A_873 = arith.constant 10 : i32
      %add3A_874 = arith.addi %mul3A_275, %add3A_873 : i32
      %jit3A_875 = arith.constant 50 : i32
      %div3A_876 = arith.divsi %add3A_874, %jit3A_875 : i32
      %sign3A_877 = arith.constant 0 : i32
      %sign3A_878 = arith.cmpi sgt, %add3A_874, %sign3A_877 : i32
      %sign3A_879 = arith.extui %sign3A_878 : i1 to i32
      %sign3A_880 = arith.constant 0 : i32
      %sign3A_881 = arith.cmpi slt, %add3A_874, %sign3A_880 : i32
      %sign3A_882 = arith.extui %sign3A_881 : i1 to i32
      %sign3A_883 = arith.subi %sign3A_879, %sign3A_882 : i32
      %sign3A_884 = arith.constant 0 : i32
      %sign3A_885 = arith.cmpi sgt, %jit3A_875, %sign3A_884 : i32
      %sign3A_886 = arith.extui %sign3A_885 : i1 to i32
      %sign3A_887 = arith.constant 0 : i32
      %sign3A_888 = arith.cmpi slt, %jit3A_875, %sign3A_887 : i32
      %sign3A_889 = arith.extui %sign3A_888 : i1 to i32
      %sign3A_890 = arith.subi %sign3A_886, %sign3A_889 : i32
      %ne3A_891 = arith.cmpi ne, %sign3A_883, %sign3A_890 : i32
      %rem3A_892 = arith.remsi %add3A_874, %jit3A_875 : i32
      %ne3A_893 = arith.constant 0 : i32
      %ne3A_894 = arith.cmpi ne, %rem3A_892, %ne3A_893 : i32
      %and3A_895 = arith.andi %ne3A_891, %ne3A_894 : i1
      %sub3A_896 = arith.constant 1 : i32
      %sub3A_897 = arith.subi %div3A_876, %sub3A_896 : i32
      %select_n3A_898 = arith.select %and3A_895, %sub3A_897, %div3A_876 : i32
      %mul3A_899 = arith.constant 50 : i32
      %mul3A_900 = arith.muli %select_n3A_898, %mul3A_899 : i32
      %sub3A_901 = arith.subi %add3A_874, %mul3A_900 : i32
      %mul3A_902 = arith.constant 4 : i32
      %mul3A_903 = arith.muli %mul3A_902, %add3A : i32
      %add3A_904 = arith.addi %mul3A_903, %select_n3A_898 : i32
      %dma_start3A_905 = arith.constant 0 : i32
      %dma_start3A_906 = tpu.memref_slice %arg4[%add3A_904, %sub3A_901, %dma_start3A_905] : memref<128x50x18432xf32, #tpu.memory_space<hbm>> -> memref<1x1x18432xf32, #tpu.memory_space<hbm>>
      %dma_start3A_907 = tpu.memref_squeeze %dma_start3A_906 : memref<1x1x18432xf32, #tpu.memory_space<hbm>> -> memref<1x18432xf32, #tpu.memory_space<hbm>>
      %dma_start3A_908 = arith.constant 0 : i32
      %dma_start3A_909 = tpu.memref_slice %arg4[%add3A_904, %sub3A_901, %dma_start3A_908] : memref<128x50x18432xf32, #tpu.memory_space<hbm>> -> memref<1x1x18432xf32, #tpu.memory_space<hbm>>
      %dma_start3A_910 = tpu.memref_squeeze %dma_start3A_909 : memref<1x1x18432xf32, #tpu.memory_space<hbm>> -> memref<1x18432xf32, #tpu.memory_space<hbm>>
      tpu.enqueue_dma source(%arg8 : memref<1x18432xf32, #tpu.memory_space<vmem>>) target(%dma_start3A_910 : memref<1x18432xf32, #tpu.memory_space<hbm>>) target_semaphore(%arg16 : memref<!tpu.dma_semaphore, #tpu.memory_space<semaphore_mem>>)
      %dma_wait3A_911 = arith.constant 0 : i32
      %dma_wait3A_912 = arith.constant 0 : i32
      %dma_wait3A_913 = arith.constant 0 : i32
      %dma_wait3A_914 = tpu.memref_slice %arg4[%dma_wait3A_911, %dma_wait3A_912, %dma_wait3A_913] : memref<128x50x18432xf32, #tpu.memory_space<hbm>> -> memref<1x1x18432xf32, #tpu.memory_space<hbm>>
      %dma_wait3A_915 = tpu.memref_squeeze %dma_wait3A_914 : memref<1x1x18432xf32, #tpu.memory_space<hbm>> -> memref<1x18432xf32, #tpu.memory_space<hbm>>
      %dma_wait3A_916 = arith.constant 0 : i32
      %dma_wait3A_917 = arith.constant 0 : i32
      %dma_wait3A_918 = tpu.memref_slice %arg4[%dma_wait3A_911, %dma_wait3A_916, %dma_wait3A_917] : memref<128x50x18432xf32, #tpu.memory_space<hbm>> -> memref<1x1x18432xf32, #tpu.memory_space<hbm>>
      %dma_wait3A_919 = tpu.memref_squeeze %dma_wait3A_918 : memref<1x1x18432xf32, #tpu.memory_space<hbm>> -> memref<1x18432xf32, #tpu.memory_space<hbm>>
      tpu.wait_dma2 semaphore(%arg16 : memref<!tpu.dma_semaphore, #tpu.memory_space<semaphore_mem>>) src(%arg8 : memref<1x18432xf32, #tpu.memory_space<vmem>>) dst(%dma_wait3A_919 : memref<1x18432xf32, #tpu.memory_space<hbm>>)
      %slice3A_920 = vector.extract_strided_slice %get3A_278 {offsets = [14], sizes = [1], strides = [1]} : vector<16xi32> to vector<1xi32>
      %squeeze3A_921 = vector.extract %slice3A_920[0] : i32 from vector<1xi32>
      %dma_start3A_922 = arith.constant 0 : i32
      %dma_start3A_923 = tpu.memref_slice %arg2[%squeeze3A_921, %dma_start3A_922] : memref<50x18432xf32, #tpu.memory_space<hbm>> -> memref<1x18432xf32, #tpu.memory_space<hbm>>
      %dma_start3A_924 = arith.constant 0 : i32
      %dma_start3A_925 = tpu.memref_slice %arg2[%squeeze3A_921, %dma_start3A_924] : memref<50x18432xf32, #tpu.memory_space<hbm>> -> memref<1x18432xf32, #tpu.memory_space<hbm>>
      tpu.enqueue_dma source(%dma_start3A_925 : memref<1x18432xf32, #tpu.memory_space<hbm>>) target(%arg8 : memref<1x18432xf32, #tpu.memory_space<vmem>>) target_semaphore(%arg12 : memref<!tpu.dma_semaphore, #tpu.memory_space<semaphore_mem>>)
      %dma_wait3A_926 = arith.constant 0 : i32
      %dma_wait3A_927 = arith.constant 0 : i32
      %dma_wait3A_928 = tpu.memref_slice %arg2[%dma_wait3A_926, %dma_wait3A_927] : memref<50x18432xf32, #tpu.memory_space<hbm>> -> memref<1x18432xf32, #tpu.memory_space<hbm>>
      %dma_wait3A_929 = arith.constant 0 : i32
      %dma_wait3A_930 = arith.constant 0 : i32
      %dma_wait3A_931 = tpu.memref_slice %arg2[%dma_wait3A_929, %dma_wait3A_930] : memref<50x18432xf32, #tpu.memory_space<hbm>> -> memref<1x18432xf32, #tpu.memory_space<hbm>>
      tpu.wait_dma2 semaphore(%arg13 : memref<!tpu.dma_semaphore, #tpu.memory_space<semaphore_mem>>) src(%dma_wait3A_931 : memref<1x18432xf32, #tpu.memory_space<hbm>>) dst(%arg9 : memref<1x18432xf32, #tpu.memory_space<vmem>>)
      %add3A_932 = arith.constant 11 : i32
      %add3A_933 = arith.addi %mul3A_275, %add3A_932 : i32
      %jit3A_934 = arith.constant 50 : i32
      %div3A_935 = arith.divsi %add3A_933, %jit3A_934 : i32
      %sign3A_936 = arith.constant 0 : i32
      %sign3A_937 = arith.cmpi sgt, %add3A_933, %sign3A_936 : i32
      %sign3A_938 = arith.extui %sign3A_937 : i1 to i32
      %sign3A_939 = arith.constant 0 : i32
      %sign3A_940 = arith.cmpi slt, %add3A_933, %sign3A_939 : i32
      %sign3A_941 = arith.extui %sign3A_940 : i1 to i32
      %sign3A_942 = arith.subi %sign3A_938, %sign3A_941 : i32
      %sign3A_943 = arith.constant 0 : i32
      %sign3A_944 = arith.cmpi sgt, %jit3A_934, %sign3A_943 : i32
      %sign3A_945 = arith.extui %sign3A_944 : i1 to i32
      %sign3A_946 = arith.constant 0 : i32
      %sign3A_947 = arith.cmpi slt, %jit3A_934, %sign3A_946 : i32
      %sign3A_948 = arith.extui %sign3A_947 : i1 to i32
      %sign3A_949 = arith.subi %sign3A_945, %sign3A_948 : i32
      %ne3A_950 = arith.cmpi ne, %sign3A_942, %sign3A_949 : i32
      %rem3A_951 = arith.remsi %add3A_933, %jit3A_934 : i32
      %ne3A_952 = arith.constant 0 : i32
      %ne3A_953 = arith.cmpi ne, %rem3A_951, %ne3A_952 : i32
      %and3A_954 = arith.andi %ne3A_950, %ne3A_953 : i1
      %sub3A_955 = arith.constant 1 : i32
      %sub3A_956 = arith.subi %div3A_935, %sub3A_955 : i32
      %select_n3A_957 = arith.select %and3A_954, %sub3A_956, %div3A_935 : i32
      %mul3A_958 = arith.constant 50 : i32
      %mul3A_959 = arith.muli %select_n3A_957, %mul3A_958 : i32
      %sub3A_960 = arith.subi %add3A_933, %mul3A_959 : i32
      %mul3A_961 = arith.constant 4 : i32
      %mul3A_962 = arith.muli %mul3A_961, %add3A : i32
      %add3A_963 = arith.addi %mul3A_962, %select_n3A_957 : i32
      %dma_start3A_964 = arith.constant 0 : i32
      %dma_start3A_965 = tpu.memref_slice %arg4[%add3A_963, %sub3A_960, %dma_start3A_964] : memref<128x50x18432xf32, #tpu.memory_space<hbm>> -> memref<1x1x18432xf32, #tpu.memory_space<hbm>>
      %dma_start3A_966 = tpu.memref_squeeze %dma_start3A_965 : memref<1x1x18432xf32, #tpu.memory_space<hbm>> -> memref<1x18432xf32, #tpu.memory_space<hbm>>
      %dma_start3A_967 = arith.constant 0 : i32
      %dma_start3A_968 = tpu.memref_slice %arg4[%add3A_963, %sub3A_960, %dma_start3A_967] : memref<128x50x18432xf32, #tpu.memory_space<hbm>> -> memref<1x1x18432xf32, #tpu.memory_space<hbm>>
      %dma_start3A_969 = tpu.memref_squeeze %dma_start3A_968 : memref<1x1x18432xf32, #tpu.memory_space<hbm>> -> memref<1x18432xf32, #tpu.memory_space<hbm>>
      tpu.enqueue_dma source(%arg9 : memref<1x18432xf32, #tpu.memory_space<vmem>>) target(%dma_start3A_969 : memref<1x18432xf32, #tpu.memory_space<hbm>>) target_semaphore(%arg17 : memref<!tpu.dma_semaphore, #tpu.memory_space<semaphore_mem>>)
      %dma_wait3A_970 = arith.constant 0 : i32
      %dma_wait3A_971 = arith.constant 0 : i32
      %dma_wait3A_972 = arith.constant 0 : i32
      %dma_wait3A_973 = tpu.memref_slice %arg4[%dma_wait3A_970, %dma_wait3A_971, %dma_wait3A_972] : memref<128x50x18432xf32, #tpu.memory_space<hbm>> -> memref<1x1x18432xf32, #tpu.memory_space<hbm>>
      %dma_wait3A_974 = tpu.memref_squeeze %dma_wait3A_973 : memref<1x1x18432xf32, #tpu.memory_space<hbm>> -> memref<1x18432xf32, #tpu.memory_space<hbm>>
      %dma_wait3A_975 = arith.constant 0 : i32
      %dma_wait3A_976 = arith.constant 0 : i32
      %dma_wait3A_977 = tpu.memref_slice %arg4[%dma_wait3A_970, %dma_wait3A_975, %dma_wait3A_976] : memref<128x50x18432xf32, #tpu.memory_space<hbm>> -> memref<1x1x18432xf32, #tpu.memory_space<hbm>>
      %dma_wait3A_978 = tpu.memref_squeeze %dma_wait3A_977 : memref<1x1x18432xf32, #tpu.memory_space<hbm>> -> memref<1x18432xf32, #tpu.memory_space<hbm>>
      tpu.wait_dma2 semaphore(%arg17 : memref<!tpu.dma_semaphore, #tpu.memory_space<semaphore_mem>>) src(%arg9 : memref<1x18432xf32, #tpu.memory_space<vmem>>) dst(%dma_wait3A_978 : memref<1x18432xf32, #tpu.memory_space<hbm>>)
      %slice3A_979 = vector.extract_strided_slice %get3A_278 {offsets = [15], sizes = [1], strides = [1]} : vector<16xi32> to vector<1xi32>
      %squeeze3A_980 = vector.extract %slice3A_979[0] : i32 from vector<1xi32>
      %dma_start3A_981 = arith.constant 0 : i32
      %dma_start3A_982 = tpu.memref_slice %arg2[%squeeze3A_980, %dma_start3A_981] : memref<50x18432xf32, #tpu.memory_space<hbm>> -> memref<1x18432xf32, #tpu.memory_space<hbm>>
      %dma_start3A_983 = arith.constant 0 : i32
      %dma_start3A_984 = tpu.memref_slice %arg2[%squeeze3A_980, %dma_start3A_983] : memref<50x18432xf32, #tpu.memory_space<hbm>> -> memref<1x18432xf32, #tpu.memory_space<hbm>>
      tpu.enqueue_dma source(%dma_start3A_984 : memref<1x18432xf32, #tpu.memory_space<hbm>>) target(%arg9 : memref<1x18432xf32, #tpu.memory_space<vmem>>) target_semaphore(%arg13 : memref<!tpu.dma_semaphore, #tpu.memory_space<semaphore_mem>>)
      %dma_wait3A_985 = arith.constant 0 : i32
      %dma_wait3A_986 = arith.constant 0 : i32
      %dma_wait3A_987 = tpu.memref_slice %arg2[%dma_wait3A_985, %dma_wait3A_986] : memref<50x18432xf32, #tpu.memory_space<hbm>> -> memref<1x18432xf32, #tpu.memory_space<hbm>>
      %dma_wait3A_988 = arith.constant 0 : i32
      %dma_wait3A_989 = arith.constant 0 : i32
      %dma_wait3A_990 = tpu.memref_slice %arg2[%dma_wait3A_988, %dma_wait3A_989] : memref<50x18432xf32, #tpu.memory_space<hbm>> -> memref<1x18432xf32, #tpu.memory_space<hbm>>
      tpu.wait_dma2 semaphore(%arg10 : memref<!tpu.dma_semaphore, #tpu.memory_space<semaphore_mem>>) src(%dma_wait3A_990 : memref<1x18432xf32, #tpu.memory_space<hbm>>) dst(%arg6 : memref<1x18432xf32, #tpu.memory_space<vmem>>)
      %add3A_991 = arith.constant 12 : i32
      %add3A_992 = arith.addi %mul3A_275, %add3A_991 : i32
      %jit3A_993 = arith.constant 50 : i32
      %div3A_994 = arith.divsi %add3A_992, %jit3A_993 : i32
      %sign3A_995 = arith.constant 0 : i32
      %sign3A_996 = arith.cmpi sgt, %add3A_992, %sign3A_995 : i32
      %sign3A_997 = arith.extui %sign3A_996 : i1 to i32
      %sign3A_998 = arith.constant 0 : i32
      %sign3A_999 = arith.cmpi slt, %add3A_992, %sign3A_998 : i32
      %sign3A_1000 = arith.extui %sign3A_999 : i1 to i32
      %sign3A_1001 = arith.subi %sign3A_997, %sign3A_1000 : i32
      %sign3A_1002 = arith.constant 0 : i32
      %sign3A_1003 = arith.cmpi sgt, %jit3A_993, %sign3A_1002 : i32
      %sign3A_1004 = arith.extui %sign3A_1003 : i1 to i32
      %sign3A_1005 = arith.constant 0 : i32
      %sign3A_1006 = arith.cmpi slt, %jit3A_993, %sign3A_1005 : i32
      %sign3A_1007 = arith.extui %sign3A_1006 : i1 to i32
      %sign3A_1008 = arith.subi %sign3A_1004, %sign3A_1007 : i32
      %ne3A_1009 = arith.cmpi ne, %sign3A_1001, %sign3A_1008 : i32
      %rem3A_1010 = arith.remsi %add3A_992, %jit3A_993 : i32
      %ne3A_1011 = arith.constant 0 : i32
      %ne3A_1012 = arith.cmpi ne, %rem3A_1010, %ne3A_1011 : i32
      %and3A_1013 = arith.andi %ne3A_1009, %ne3A_1012 : i1
      %sub3A_1014 = arith.constant 1 : i32
      %sub3A_1015 = arith.subi %div3A_994, %sub3A_1014 : i32
      %select_n3A_1016 = arith.select %and3A_1013, %sub3A_1015, %div3A_994 : i32
      %mul3A_1017 = arith.constant 50 : i32
      %mul3A_1018 = arith.muli %select_n3A_1016, %mul3A_1017 : i32
      %sub3A_1019 = arith.subi %add3A_992, %mul3A_1018 : i32
      %mul3A_1020 = arith.constant 4 : i32
      %mul3A_1021 = arith.muli %mul3A_1020, %add3A : i32
      %add3A_1022 = arith.addi %mul3A_1021, %select_n3A_1016 : i32
      %dma_start3A_1023 = arith.constant 0 : i32
      %dma_start3A_1024 = tpu.memref_slice %arg4[%add3A_1022, %sub3A_1019, %dma_start3A_1023] : memref<128x50x18432xf32, #tpu.memory_space<hbm>> -> memref<1x1x18432xf32, #tpu.memory_space<hbm>>
      %dma_start3A_1025 = tpu.memref_squeeze %dma_start3A_1024 : memref<1x1x18432xf32, #tpu.memory_space<hbm>> -> memref<1x18432xf32, #tpu.memory_space<hbm>>
      %dma_start3A_1026 = arith.constant 0 : i32
      %dma_start3A_1027 = tpu.memref_slice %arg4[%add3A_1022, %sub3A_1019, %dma_start3A_1026] : memref<128x50x18432xf32, #tpu.memory_space<hbm>> -> memref<1x1x18432xf32, #tpu.memory_space<hbm>>
      %dma_start3A_1028 = tpu.memref_squeeze %dma_start3A_1027 : memref<1x1x18432xf32, #tpu.memory_space<hbm>> -> memref<1x18432xf32, #tpu.memory_space<hbm>>
      tpu.enqueue_dma source(%arg6 : memref<1x18432xf32, #tpu.memory_space<vmem>>) target(%dma_start3A_1028 : memref<1x18432xf32, #tpu.memory_space<hbm>>) target_semaphore(%arg14 : memref<!tpu.dma_semaphore, #tpu.memory_space<semaphore_mem>>)
      %dma_wait3A_1029 = arith.constant 0 : i32
      %dma_wait3A_1030 = arith.constant 0 : i32
      %dma_wait3A_1031 = arith.constant 0 : i32
      %dma_wait3A_1032 = tpu.memref_slice %arg4[%dma_wait3A_1029, %dma_wait3A_1030, %dma_wait3A_1031] : memref<128x50x18432xf32, #tpu.memory_space<hbm>> -> memref<1x1x18432xf32, #tpu.memory_space<hbm>>
      %dma_wait3A_1033 = tpu.memref_squeeze %dma_wait3A_1032 : memref<1x1x18432xf32, #tpu.memory_space<hbm>> -> memref<1x18432xf32, #tpu.memory_space<hbm>>
      %dma_wait3A_1034 = arith.constant 0 : i32
      %dma_wait3A_1035 = arith.constant 0 : i32
      %dma_wait3A_1036 = tpu.memref_slice %arg4[%dma_wait3A_1029, %dma_wait3A_1034, %dma_wait3A_1035] : memref<128x50x18432xf32, #tpu.memory_space<hbm>> -> memref<1x1x18432xf32, #tpu.memory_space<hbm>>
      %dma_wait3A_1037 = tpu.memref_squeeze %dma_wait3A_1036 : memref<1x1x18432xf32, #tpu.memory_space<hbm>> -> memref<1x18432xf32, #tpu.memory_space<hbm>>
      tpu.wait_dma2 semaphore(%arg14 : memref<!tpu.dma_semaphore, #tpu.memory_space<semaphore_mem>>) src(%arg6 : memref<1x18432xf32, #tpu.memory_space<vmem>>) dst(%dma_wait3A_1037 : memref<1x18432xf32, #tpu.memory_space<hbm>>)
      %slice3A_1038 = vector.extract_strided_slice %get3A_284 {offsets = [0], sizes = [1], strides = [1]} : vector<16xi32> to vector<1xi32>
      %squeeze3A_1039 = vector.extract %slice3A_1038[0] : i32 from vector<1xi32>
      %dma_start3A_1040 = arith.constant 0 : i32
      %dma_start3A_1041 = tpu.memref_slice %arg2[%squeeze3A_1039, %dma_start3A_1040] : memref<50x18432xf32, #tpu.memory_space<hbm>> -> memref<1x18432xf32, #tpu.memory_space<hbm>>
      %dma_start3A_1042 = arith.constant 0 : i32
      %dma_start3A_1043 = tpu.memref_slice %arg2[%squeeze3A_1039, %dma_start3A_1042] : memref<50x18432xf32, #tpu.memory_space<hbm>> -> memref<1x18432xf32, #tpu.memory_space<hbm>>
      tpu.enqueue_dma source(%dma_start3A_1043 : memref<1x18432xf32, #tpu.memory_space<hbm>>) target(%arg6 : memref<1x18432xf32, #tpu.memory_space<vmem>>) target_semaphore(%arg10 : memref<!tpu.dma_semaphore, #tpu.memory_space<semaphore_mem>>)
      %dma_wait3A_1044 = arith.constant 0 : i32
      %dma_wait3A_1045 = arith.constant 0 : i32
      %dma_wait3A_1046 = tpu.memref_slice %arg2[%dma_wait3A_1044, %dma_wait3A_1045] : memref<50x18432xf32, #tpu.memory_space<hbm>> -> memref<1x18432xf32, #tpu.memory_space<hbm>>
      %dma_wait3A_1047 = arith.constant 0 : i32
      %dma_wait3A_1048 = arith.constant 0 : i32
      %dma_wait3A_1049 = tpu.memref_slice %arg2[%dma_wait3A_1047, %dma_wait3A_1048] : memref<50x18432xf32, #tpu.memory_space<hbm>> -> memref<1x18432xf32, #tpu.memory_space<hbm>>
      tpu.wait_dma2 semaphore(%arg11 : memref<!tpu.dma_semaphore, #tpu.memory_space<semaphore_mem>>) src(%dma_wait3A_1049 : memref<1x18432xf32, #tpu.memory_space<hbm>>) dst(%arg7 : memref<1x18432xf32, #tpu.memory_space<vmem>>)
      %add3A_1050 = arith.constant 13 : i32
      %add3A_1051 = arith.addi %mul3A_275, %add3A_1050 : i32
      %jit3A_1052 = arith.constant 50 : i32
      %div3A_1053 = arith.divsi %add3A_1051, %jit3A_1052 : i32
      %sign3A_1054 = arith.constant 0 : i32
      %sign3A_1055 = arith.cmpi sgt, %add3A_1051, %sign3A_1054 : i32
      %sign3A_1056 = arith.extui %sign3A_1055 : i1 to i32
      %sign3A_1057 = arith.constant 0 : i32
      %sign3A_1058 = arith.cmpi slt, %add3A_1051, %sign3A_1057 : i32
      %sign3A_1059 = arith.extui %sign3A_1058 : i1 to i32
      %sign3A_1060 = arith.subi %sign3A_1056, %sign3A_1059 : i32
      %sign3A_1061 = arith.constant 0 : i32
      %sign3A_1062 = arith.cmpi sgt, %jit3A_1052, %sign3A_1061 : i32
      %sign3A_1063 = arith.extui %sign3A_1062 : i1 to i32
      %sign3A_1064 = arith.constant 0 : i32
      %sign3A_1065 = arith.cmpi slt, %jit3A_1052, %sign3A_1064 : i32
      %sign3A_1066 = arith.extui %sign3A_1065 : i1 to i32
      %sign3A_1067 = arith.subi %sign3A_1063, %sign3A_1066 : i32
      %ne3A_1068 = arith.cmpi ne, %sign3A_1060, %sign3A_1067 : i32
      %rem3A_1069 = arith.remsi %add3A_1051, %jit3A_1052 : i32
      %ne3A_1070 = arith.constant 0 : i32
      %ne3A_1071 = arith.cmpi ne, %rem3A_1069, %ne3A_1070 : i32
      %and3A_1072 = arith.andi %ne3A_1068, %ne3A_1071 : i1
      %sub3A_1073 = arith.constant 1 : i32
      %sub3A_1074 = arith.subi %div3A_1053, %sub3A_1073 : i32
      %select_n3A_1075 = arith.select %and3A_1072, %sub3A_1074, %div3A_1053 : i32
      %mul3A_1076 = arith.constant 50 : i32
      %mul3A_1077 = arith.muli %select_n3A_1075, %mul3A_1076 : i32
      %sub3A_1078 = arith.subi %add3A_1051, %mul3A_1077 : i32
      %mul3A_1079 = arith.constant 4 : i32
      %mul3A_1080 = arith.muli %mul3A_1079, %add3A : i32
      %add3A_1081 = arith.addi %mul3A_1080, %select_n3A_1075 : i32
      %dma_start3A_1082 = arith.constant 0 : i32
      %dma_start3A_1083 = tpu.memref_slice %arg4[%add3A_1081, %sub3A_1078, %dma_start3A_1082] : memref<128x50x18432xf32, #tpu.memory_space<hbm>> -> memref<1x1x18432xf32, #tpu.memory_space<hbm>>
      %dma_start3A_1084 = tpu.memref_squeeze %dma_start3A_1083 : memref<1x1x18432xf32, #tpu.memory_space<hbm>> -> memref<1x18432xf32, #tpu.memory_space<hbm>>
      %dma_start3A_1085 = arith.constant 0 : i32
      %dma_start3A_1086 = tpu.memref_slice %arg4[%add3A_1081, %sub3A_1078, %dma_start3A_1085] : memref<128x50x18432xf32, #tpu.memory_space<hbm>> -> memref<1x1x18432xf32, #tpu.memory_space<hbm>>
      %dma_start3A_1087 = tpu.memref_squeeze %dma_start3A_1086 : memref<1x1x18432xf32, #tpu.memory_space<hbm>> -> memref<1x18432xf32, #tpu.memory_space<hbm>>
      tpu.enqueue_dma source(%arg7 : memref<1x18432xf32, #tpu.memory_space<vmem>>) target(%dma_start3A_1087 : memref<1x18432xf32, #tpu.memory_space<hbm>>) target_semaphore(%arg15 : memref<!tpu.dma_semaphore, #tpu.memory_space<semaphore_mem>>)
      %dma_wait3A_1088 = arith.constant 0 : i32
      %dma_wait3A_1089 = arith.constant 0 : i32
      %dma_wait3A_1090 = arith.constant 0 : i32
      %dma_wait3A_1091 = tpu.memref_slice %arg4[%dma_wait3A_1088, %dma_wait3A_1089, %dma_wait3A_1090] : memref<128x50x18432xf32, #tpu.memory_space<hbm>> -> memref<1x1x18432xf32, #tpu.memory_space<hbm>>
      %dma_wait3A_1092 = tpu.memref_squeeze %dma_wait3A_1091 : memref<1x1x18432xf32, #tpu.memory_space<hbm>> -> memref<1x18432xf32, #tpu.memory_space<hbm>>
      %dma_wait3A_1093 = arith.constant 0 : i32
      %dma_wait3A_1094 = arith.constant 0 : i32
      %dma_wait3A_1095 = tpu.memref_slice %arg4[%dma_wait3A_1088, %dma_wait3A_1093, %dma_wait3A_1094] : memref<128x50x18432xf32, #tpu.memory_space<hbm>> -> memref<1x1x18432xf32, #tpu.memory_space<hbm>>
      %dma_wait3A_1096 = tpu.memref_squeeze %dma_wait3A_1095 : memref<1x1x18432xf32, #tpu.memory_space<hbm>> -> memref<1x18432xf32, #tpu.memory_space<hbm>>
      tpu.wait_dma2 semaphore(%arg15 : memref<!tpu.dma_semaphore, #tpu.memory_space<semaphore_mem>>) src(%arg7 : memref<1x18432xf32, #tpu.memory_space<vmem>>) dst(%dma_wait3A_1096 : memref<1x18432xf32, #tpu.memory_space<hbm>>)
      %slice3A_1097 = vector.extract_strided_slice %get3A_284 {offsets = [1], sizes = [1], strides = [1]} : vector<16xi32> to vector<1xi32>
      %squeeze3A_1098 = vector.extract %slice3A_1097[0] : i32 from vector<1xi32>
      %dma_start3A_1099 = arith.constant 0 : i32
      %dma_start3A_1100 = tpu.memref_slice %arg2[%squeeze3A_1098, %dma_start3A_1099] : memref<50x18432xf32, #tpu.memory_space<hbm>> -> memref<1x18432xf32, #tpu.memory_space<hbm>>
      %dma_start3A_1101 = arith.constant 0 : i32
      %dma_start3A_1102 = tpu.memref_slice %arg2[%squeeze3A_1098, %dma_start3A_1101] : memref<50x18432xf32, #tpu.memory_space<hbm>> -> memref<1x18432xf32, #tpu.memory_space<hbm>>
      tpu.enqueue_dma source(%dma_start3A_1102 : memref<1x18432xf32, #tpu.memory_space<hbm>>) target(%arg7 : memref<1x18432xf32, #tpu.memory_space<vmem>>) target_semaphore(%arg11 : memref<!tpu.dma_semaphore, #tpu.memory_space<semaphore_mem>>)
      %dma_wait3A_1103 = arith.constant 0 : i32
      %dma_wait3A_1104 = arith.constant 0 : i32
      %dma_wait3A_1105 = tpu.memref_slice %arg2[%dma_wait3A_1103, %dma_wait3A_1104] : memref<50x18432xf32, #tpu.memory_space<hbm>> -> memref<1x18432xf32, #tpu.memory_space<hbm>>
      %dma_wait3A_1106 = arith.constant 0 : i32
      %dma_wait3A_1107 = arith.constant 0 : i32
      %dma_wait3A_1108 = tpu.memref_slice %arg2[%dma_wait3A_1106, %dma_wait3A_1107] : memref<50x18432xf32, #tpu.memory_space<hbm>> -> memref<1x18432xf32, #tpu.memory_space<hbm>>
      tpu.wait_dma2 semaphore(%arg12 : memref<!tpu.dma_semaphore, #tpu.memory_space<semaphore_mem>>) src(%dma_wait3A_1108 : memref<1x18432xf32, #tpu.memory_space<hbm>>) dst(%arg8 : memref<1x18432xf32, #tpu.memory_space<vmem>>)
      %add3A_1109 = arith.constant 14 : i32
      %add3A_1110 = arith.addi %mul3A_275, %add3A_1109 : i32
      %jit3A_1111 = arith.constant 50 : i32
      %div3A_1112 = arith.divsi %add3A_1110, %jit3A_1111 : i32
      %sign3A_1113 = arith.constant 0 : i32
      %sign3A_1114 = arith.cmpi sgt, %add3A_1110, %sign3A_1113 : i32
      %sign3A_1115 = arith.extui %sign3A_1114 : i1 to i32
      %sign3A_1116 = arith.constant 0 : i32
      %sign3A_1117 = arith.cmpi slt, %add3A_1110, %sign3A_1116 : i32
      %sign3A_1118 = arith.extui %sign3A_1117 : i1 to i32
      %sign3A_1119 = arith.subi %sign3A_1115, %sign3A_1118 : i32
      %sign3A_1120 = arith.constant 0 : i32
      %sign3A_1121 = arith.cmpi sgt, %jit3A_1111, %sign3A_1120 : i32
      %sign3A_1122 = arith.extui %sign3A_1121 : i1 to i32
      %sign3A_1123 = arith.constant 0 : i32
      %sign3A_1124 = arith.cmpi slt, %jit3A_1111, %sign3A_1123 : i32
      %sign3A_1125 = arith.extui %sign3A_1124 : i1 to i32
      %sign3A_1126 = arith.subi %sign3A_1122, %sign3A_1125 : i32
      %ne3A_1127 = arith.cmpi ne, %sign3A_1119, %sign3A_1126 : i32
      %rem3A_1128 = arith.remsi %add3A_1110, %jit3A_1111 : i32
      %ne3A_1129 = arith.constant 0 : i32
      %ne3A_1130 = arith.cmpi ne, %rem3A_1128, %ne3A_1129 : i32
      %and3A_1131 = arith.andi %ne3A_1127, %ne3A_1130 : i1
      %sub3A_1132 = arith.constant 1 : i32
      %sub3A_1133 = arith.subi %div3A_1112, %sub3A_1132 : i32
      %select_n3A_1134 = arith.select %and3A_1131, %sub3A_1133, %div3A_1112 : i32
      %mul3A_1135 = arith.constant 50 : i32
      %mul3A_1136 = arith.muli %select_n3A_1134, %mul3A_1135 : i32
      %sub3A_1137 = arith.subi %add3A_1110, %mul3A_1136 : i32
      %mul3A_1138 = arith.constant 4 : i32
      %mul3A_1139 = arith.muli %mul3A_1138, %add3A : i32
      %add3A_1140 = arith.addi %mul3A_1139, %select_n3A_1134 : i32
      %dma_start3A_1141 = arith.constant 0 : i32
      %dma_start3A_1142 = tpu.memref_slice %arg4[%add3A_1140, %sub3A_1137, %dma_start3A_1141] : memref<128x50x18432xf32, #tpu.memory_space<hbm>> -> memref<1x1x18432xf32, #tpu.memory_space<hbm>>
      %dma_start3A_1143 = tpu.memref_squeeze %dma_start3A_1142 : memref<1x1x18432xf32, #tpu.memory_space<hbm>> -> memref<1x18432xf32, #tpu.memory_space<hbm>>
      %dma_start3A_1144 = arith.constant 0 : i32
      %dma_start3A_1145 = tpu.memref_slice %arg4[%add3A_1140, %sub3A_1137, %dma_start3A_1144] : memref<128x50x18432xf32, #tpu.memory_space<hbm>> -> memref<1x1x18432xf32, #tpu.memory_space<hbm>>
      %dma_start3A_1146 = tpu.memref_squeeze %dma_start3A_1145 : memref<1x1x18432xf32, #tpu.memory_space<hbm>> -> memref<1x18432xf32, #tpu.memory_space<hbm>>
      tpu.enqueue_dma source(%arg8 : memref<1x18432xf32, #tpu.memory_space<vmem>>) target(%dma_start3A_1146 : memref<1x18432xf32, #tpu.memory_space<hbm>>) target_semaphore(%arg16 : memref<!tpu.dma_semaphore, #tpu.memory_space<semaphore_mem>>)
      %dma_wait3A_1147 = arith.constant 0 : i32
      %dma_wait3A_1148 = arith.constant 0 : i32
      %dma_wait3A_1149 = arith.constant 0 : i32
      %dma_wait3A_1150 = tpu.memref_slice %arg4[%dma_wait3A_1147, %dma_wait3A_1148, %dma_wait3A_1149] : memref<128x50x18432xf32, #tpu.memory_space<hbm>> -> memref<1x1x18432xf32, #tpu.memory_space<hbm>>
      %dma_wait3A_1151 = tpu.memref_squeeze %dma_wait3A_1150 : memref<1x1x18432xf32, #tpu.memory_space<hbm>> -> memref<1x18432xf32, #tpu.memory_space<hbm>>
      %dma_wait3A_1152 = arith.constant 0 : i32
      %dma_wait3A_1153 = arith.constant 0 : i32
      %dma_wait3A_1154 = tpu.memref_slice %arg4[%dma_wait3A_1147, %dma_wait3A_1152, %dma_wait3A_1153] : memref<128x50x18432xf32, #tpu.memory_space<hbm>> -> memref<1x1x18432xf32, #tpu.memory_space<hbm>>
      %dma_wait3A_1155 = tpu.memref_squeeze %dma_wait3A_1154 : memref<1x1x18432xf32, #tpu.memory_space<hbm>> -> memref<1x18432xf32, #tpu.memory_space<hbm>>
      tpu.wait_dma2 semaphore(%arg16 : memref<!tpu.dma_semaphore, #tpu.memory_space<semaphore_mem>>) src(%arg8 : memref<1x18432xf32, #tpu.memory_space<vmem>>) dst(%dma_wait3A_1155 : memref<1x18432xf32, #tpu.memory_space<hbm>>)
      %slice3A_1156 = vector.extract_strided_slice %get3A_284 {offsets = [2], sizes = [1], strides = [1]} : vector<16xi32> to vector<1xi32>
      %squeeze3A_1157 = vector.extract %slice3A_1156[0] : i32 from vector<1xi32>
      %dma_start3A_1158 = arith.constant 0 : i32
      %dma_start3A_1159 = tpu.memref_slice %arg2[%squeeze3A_1157, %dma_start3A_1158] : memref<50x18432xf32, #tpu.memory_space<hbm>> -> memref<1x18432xf32, #tpu.memory_space<hbm>>
      %dma_start3A_1160 = arith.constant 0 : i32
      %dma_start3A_1161 = tpu.memref_slice %arg2[%squeeze3A_1157, %dma_start3A_1160] : memref<50x18432xf32, #tpu.memory_space<hbm>> -> memref<1x18432xf32, #tpu.memory_space<hbm>>
      tpu.enqueue_dma source(%dma_start3A_1161 : memref<1x18432xf32, #tpu.memory_space<hbm>>) target(%arg8 : memref<1x18432xf32, #tpu.memory_space<vmem>>) target_semaphore(%arg12 : memref<!tpu.dma_semaphore, #tpu.memory_space<semaphore_mem>>)
      %dma_wait3A_1162 = arith.constant 0 : i32
      %dma_wait3A_1163 = arith.constant 0 : i32
      %dma_wait3A_1164 = tpu.memref_slice %arg2[%dma_wait3A_1162, %dma_wait3A_1163] : memref<50x18432xf32, #tpu.memory_space<hbm>> -> memref<1x18432xf32, #tpu.memory_space<hbm>>
      %dma_wait3A_1165 = arith.constant 0 : i32
      %dma_wait3A_1166 = arith.constant 0 : i32
      %dma_wait3A_1167 = tpu.memref_slice %arg2[%dma_wait3A_1165, %dma_wait3A_1166] : memref<50x18432xf32, #tpu.memory_space<hbm>> -> memref<1x18432xf32, #tpu.memory_space<hbm>>
      tpu.wait_dma2 semaphore(%arg13 : memref<!tpu.dma_semaphore, #tpu.memory_space<semaphore_mem>>) src(%dma_wait3A_1167 : memref<1x18432xf32, #tpu.memory_space<hbm>>) dst(%arg9 : memref<1x18432xf32, #tpu.memory_space<vmem>>)
      %add3A_1168 = arith.constant 15 : i32
      %add3A_1169 = arith.addi %mul3A_275, %add3A_1168 : i32
      %jit3A_1170 = arith.constant 50 : i32
      %div3A_1171 = arith.divsi %add3A_1169, %jit3A_1170 : i32
      %sign3A_1172 = arith.constant 0 : i32
      %sign3A_1173 = arith.cmpi sgt, %add3A_1169, %sign3A_1172 : i32
      %sign3A_1174 = arith.extui %sign3A_1173 : i1 to i32
      %sign3A_1175 = arith.constant 0 : i32
      %sign3A_1176 = arith.cmpi slt, %add3A_1169, %sign3A_1175 : i32
      %sign3A_1177 = arith.extui %sign3A_1176 : i1 to i32
      %sign3A_1178 = arith.subi %sign3A_1174, %sign3A_1177 : i32
      %sign3A_1179 = arith.constant 0 : i32
      %sign3A_1180 = arith.cmpi sgt, %jit3A_1170, %sign3A_1179 : i32
      %sign3A_1181 = arith.extui %sign3A_1180 : i1 to i32
      %sign3A_1182 = arith.constant 0 : i32
      %sign3A_1183 = arith.cmpi slt, %jit3A_1170, %sign3A_1182 : i32
      %sign3A_1184 = arith.extui %sign3A_1183 : i1 to i32
      %sign3A_1185 = arith.subi %sign3A_1181, %sign3A_1184 : i32
      %ne3A_1186 = arith.cmpi ne, %sign3A_1178, %sign3A_1185 : i32
      %rem3A_1187 = arith.remsi %add3A_1169, %jit3A_1170 : i32
      %ne3A_1188 = arith.constant 0 : i32
      %ne3A_1189 = arith.cmpi ne, %rem3A_1187, %ne3A_1188 : i32
      %and3A_1190 = arith.andi %ne3A_1186, %ne3A_1189 : i1
      %sub3A_1191 = arith.constant 1 : i32
      %sub3A_1192 = arith.subi %div3A_1171, %sub3A_1191 : i32
      %select_n3A_1193 = arith.select %and3A_1190, %sub3A_1192, %div3A_1171 : i32
      %mul3A_1194 = arith.constant 50 : i32
      %mul3A_1195 = arith.muli %select_n3A_1193, %mul3A_1194 : i32
      %sub3A_1196 = arith.subi %add3A_1169, %mul3A_1195 : i32
      %mul3A_1197 = arith.constant 4 : i32
      %mul3A_1198 = arith.muli %mul3A_1197, %add3A : i32
      %add3A_1199 = arith.addi %mul3A_1198, %select_n3A_1193 : i32
      %dma_start3A_1200 = arith.constant 0 : i32
      %dma_start3A_1201 = tpu.memref_slice %arg4[%add3A_1199, %sub3A_1196, %dma_start3A_1200] : memref<128x50x18432xf32, #tpu.memory_space<hbm>> -> memref<1x1x18432xf32, #tpu.memory_space<hbm>>
      %dma_start3A_1202 = tpu.memref_squeeze %dma_start3A_1201 : memref<1x1x18432xf32, #tpu.memory_space<hbm>> -> memref<1x18432xf32, #tpu.memory_space<hbm>>
      %dma_start3A_1203 = arith.constant 0 : i32
      %dma_start3A_1204 = tpu.memref_slice %arg4[%add3A_1199, %sub3A_1196, %dma_start3A_1203] : memref<128x50x18432xf32, #tpu.memory_space<hbm>> -> memref<1x1x18432xf32, #tpu.memory_space<hbm>>
      %dma_start3A_1205 = tpu.memref_squeeze %dma_start3A_1204 : memref<1x1x18432xf32, #tpu.memory_space<hbm>> -> memref<1x18432xf32, #tpu.memory_space<hbm>>
      tpu.enqueue_dma source(%arg9 : memref<1x18432xf32, #tpu.memory_space<vmem>>) target(%dma_start3A_1205 : memref<1x18432xf32, #tpu.memory_space<hbm>>) target_semaphore(%arg17 : memref<!tpu.dma_semaphore, #tpu.memory_space<semaphore_mem>>)
      %dma_wait3A_1206 = arith.constant 0 : i32
      %dma_wait3A_1207 = arith.constant 0 : i32
      %dma_wait3A_1208 = arith.constant 0 : i32
      %dma_wait3A_1209 = tpu.memref_slice %arg4[%dma_wait3A_1206, %dma_wait3A_1207, %dma_wait3A_1208] : memref<128x50x18432xf32, #tpu.memory_space<hbm>> -> memref<1x1x18432xf32, #tpu.memory_space<hbm>>
      %dma_wait3A_1210 = tpu.memref_squeeze %dma_wait3A_1209 : memref<1x1x18432xf32, #tpu.memory_space<hbm>> -> memref<1x18432xf32, #tpu.memory_space<hbm>>
      %dma_wait3A_1211 = arith.constant 0 : i32
      %dma_wait3A_1212 = arith.constant 0 : i32
      %dma_wait3A_1213 = tpu.memref_slice %arg4[%dma_wait3A_1206, %dma_wait3A_1211, %dma_wait3A_1212] : memref<128x50x18432xf32, #tpu.memory_space<hbm>> -> memref<1x1x18432xf32, #tpu.memory_space<hbm>>
      %dma_wait3A_1214 = tpu.memref_squeeze %dma_wait3A_1213 : memref<1x1x18432xf32, #tpu.memory_space<hbm>> -> memref<1x18432xf32, #tpu.memory_space<hbm>>
      tpu.wait_dma2 semaphore(%arg17 : memref<!tpu.dma_semaphore, #tpu.memory_space<semaphore_mem>>) src(%arg9 : memref<1x18432xf32, #tpu.memory_space<vmem>>) dst(%dma_wait3A_1214 : memref<1x18432xf32, #tpu.memory_space<hbm>>)
      %slice3A_1215 = vector.extract_strided_slice %get3A_284 {offsets = [3], sizes = [1], strides = [1]} : vector<16xi32> to vector<1xi32>
      %squeeze3A_1216 = vector.extract %slice3A_1215[0] : i32 from vector<1xi32>
      %dma_start3A_1217 = arith.constant 0 : i32
      %dma_start3A_1218 = tpu.memref_slice %arg2[%squeeze3A_1216, %dma_start3A_1217] : memref<50x18432xf32, #tpu.memory_space<hbm>> -> memref<1x18432xf32, #tpu.memory_space<hbm>>
      %dma_start3A_1219 = arith.constant 0 : i32
      %dma_start3A_1220 = tpu.memref_slice %arg2[%squeeze3A_1216, %dma_start3A_1219] : memref<50x18432xf32, #tpu.memory_space<hbm>> -> memref<1x18432xf32, #tpu.memory_space<hbm>>
      tpu.enqueue_dma source(%dma_start3A_1220 : memref<1x18432xf32, #tpu.memory_space<hbm>>) target(%arg9 : memref<1x18432xf32, #tpu.memory_space<vmem>>) target_semaphore(%arg13 : memref<!tpu.dma_semaphore, #tpu.memory_space<semaphore_mem>>)
    }
    %scan3A_30 = arith.constant 12 : i32
    %get3A_31 = arith.constant 192 : index
    %get3A_32 = tpu.vector_load %arg5[%get3A_31] {strides = array<i32>} : memref<224xi32, #tpu.memory_space<vmem>>, vector<16xi32>,
    %get3A_33 = vector.shape_cast %get3A_32 : vector<16xi32> to vector<16xi32>
    %dma_wait3A = arith.constant 0 : i32
    %dma_wait3A_34 = arith.constant 0 : i32
    %dma_wait3A_35 = tpu.memref_slice %arg2[%dma_wait3A, %dma_wait3A_34] : memref<50x18432xf32, #tpu.memory_space<hbm>> -> memref<1x18432xf32, #tpu.memory_space<hbm>>
    %dma_wait3A_36 = arith.constant 0 : i32
    %dma_wait3A_37 = arith.constant 0 : i32
    %dma_wait3A_38 = tpu.memref_slice %arg2[%dma_wait3A_36, %dma_wait3A_37] : memref<50x18432xf32, #tpu.memory_space<hbm>> -> memref<1x18432xf32, #tpu.memory_space<hbm>>
    tpu.wait_dma2 semaphore(%arg10 : memref<!tpu.dma_semaphore, #tpu.memory_space<semaphore_mem>>) src(%dma_wait3A_38 : memref<1x18432xf32, #tpu.memory_space<hbm>>) dst(%arg6 : memref<1x18432xf32, #tpu.memory_space<vmem>>)
    %mul3A_39 = arith.constant 4 : i32
    %mul3A_40 = arith.muli %mul3A_39, %add3A : i32
    %add3A_41 = arith.constant 3 : i32
    %add3A_42 = arith.addi %mul3A_40, %add3A_41 : i32
    %dma_start3A_43 = arith.constant 42 : i32
    %dma_start3A_44 = arith.constant 0 : i32
    %dma_start3A_45 = tpu.memref_slice %arg4[%add3A_42, %dma_start3A_43, %dma_start3A_44] : memref<128x50x18432xf32, #tpu.memory_space<hbm>> -> memref<1x1x18432xf32, #tpu.memory_space<hbm>>
    %dma_start3A_46 = tpu.memref_squeeze %dma_start3A_45 : memref<1x1x18432xf32, #tpu.memory_space<hbm>> -> memref<1x18432xf32, #tpu.memory_space<hbm>>
    %dma_start3A_47 = arith.constant 42 : i32
    %dma_start3A_48 = arith.constant 0 : i32
    %dma_start3A_49 = tpu.memref_slice %arg4[%add3A_42, %dma_start3A_47, %dma_start3A_48] : memref<128x50x18432xf32, #tpu.memory_space<hbm>> -> memref<1x1x18432xf32, #tpu.memory_space<hbm>>
    %dma_start3A_50 = tpu.memref_squeeze %dma_start3A_49 : memref<1x1x18432xf32, #tpu.memory_space<hbm>> -> memref<1x18432xf32, #tpu.memory_space<hbm>>
    tpu.enqueue_dma source(%arg6 : memref<1x18432xf32, #tpu.memory_space<vmem>>) target(%dma_start3A_50 : memref<1x18432xf32, #tpu.memory_space<hbm>>) target_semaphore(%arg14 : memref<!tpu.dma_semaphore, #tpu.memory_space<semaphore_mem>>)
    %dma_wait3A_51 = arith.constant 0 : i32
    %dma_wait3A_52 = arith.constant 0 : i32
    %dma_wait3A_53 = arith.constant 0 : i32
    %dma_wait3A_54 = tpu.memref_slice %arg4[%dma_wait3A_51, %dma_wait3A_52, %dma_wait3A_53] : memref<128x50x18432xf32, #tpu.memory_space<hbm>> -> memref<1x1x18432xf32, #tpu.memory_space<hbm>>
    %dma_wait3A_55 = tpu.memref_squeeze %dma_wait3A_54 : memref<1x1x18432xf32, #tpu.memory_space<hbm>> -> memref<1x18432xf32, #tpu.memory_space<hbm>>
    %dma_wait3A_56 = arith.constant 0 : i32
    %dma_wait3A_57 = arith.constant 0 : i32
    %dma_wait3A_58 = tpu.memref_slice %arg4[%dma_wait3A_51, %dma_wait3A_56, %dma_wait3A_57] : memref<128x50x18432xf32, #tpu.memory_space<hbm>> -> memref<1x1x18432xf32, #tpu.memory_space<hbm>>
    %dma_wait3A_59 = tpu.memref_squeeze %dma_wait3A_58 : memref<1x1x18432xf32, #tpu.memory_space<hbm>> -> memref<1x18432xf32, #tpu.memory_space<hbm>>
    tpu.wait_dma2 semaphore(%arg14 : memref<!tpu.dma_semaphore, #tpu.memory_space<semaphore_mem>>) src(%arg6 : memref<1x18432xf32, #tpu.memory_space<vmem>>) dst(%dma_wait3A_59 : memref<1x18432xf32, #tpu.memory_space<hbm>>)
    %slice3A_60 = vector.extract_strided_slice %get3A_33 {offsets = [4], sizes = [1], strides = [1]} : vector<16xi32> to vector<1xi32>
    %squeeze3A_61 = vector.extract %slice3A_60[0] : i32 from vector<1xi32>
    %dma_start3A_62 = arith.constant 0 : i32
    %dma_start3A_63 = tpu.memref_slice %arg2[%squeeze3A_61, %dma_start3A_62] : memref<50x18432xf32, #tpu.memory_space<hbm>> -> memref<1x18432xf32, #tpu.memory_space<hbm>>
    %dma_start3A_64 = arith.constant 0 : i32
    %dma_start3A_65 = tpu.memref_slice %arg2[%squeeze3A_61, %dma_start3A_64] : memref<50x18432xf32, #tpu.memory_space<hbm>> -> memref<1x18432xf32, #tpu.memory_space<hbm>>
    tpu.enqueue_dma source(%dma_start3A_65 : memref<1x18432xf32, #tpu.memory_space<hbm>>) target(%arg6 : memref<1x18432xf32, #tpu.memory_space<vmem>>) target_semaphore(%arg10 : memref<!tpu.dma_semaphore, #tpu.memory_space<semaphore_mem>>)
    %dma_wait3A_66 = arith.constant 0 : i32
    %dma_wait3A_67 = arith.constant 0 : i32
    %dma_wait3A_68 = tpu.memref_slice %arg2[%dma_wait3A_66, %dma_wait3A_67] : memref<50x18432xf32, #tpu.memory_space<hbm>> -> memref<1x18432xf32, #tpu.memory_space<hbm>>
    %dma_wait3A_69 = arith.constant 0 : i32
    %dma_wait3A_70 = arith.constant 0 : i32
    %dma_wait3A_71 = tpu.memref_slice %arg2[%dma_wait3A_69, %dma_wait3A_70] : memref<50x18432xf32, #tpu.memory_space<hbm>> -> memref<1x18432xf32, #tpu.memory_space<hbm>>
    tpu.wait_dma2 semaphore(%arg11 : memref<!tpu.dma_semaphore, #tpu.memory_space<semaphore_mem>>) src(%dma_wait3A_71 : memref<1x18432xf32, #tpu.memory_space<hbm>>) dst(%arg7 : memref<1x18432xf32, #tpu.memory_space<vmem>>)
    %mul3A_72 = arith.constant 4 : i32
    %mul3A_73 = arith.muli %mul3A_72, %add3A : i32
    %add3A_74 = arith.constant 3 : i32
    %add3A_75 = arith.addi %mul3A_73, %add3A_74 : i32
    %dma_start3A_76 = arith.constant 43 : i32
    %dma_start3A_77 = arith.constant 0 : i32
    %dma_start3A_78 = tpu.memref_slice %arg4[%add3A_75, %dma_start3A_76, %dma_start3A_77] : memref<128x50x18432xf32, #tpu.memory_space<hbm>> -> memref<1x1x18432xf32, #tpu.memory_space<hbm>>
    %dma_start3A_79 = tpu.memref_squeeze %dma_start3A_78 : memref<1x1x18432xf32, #tpu.memory_space<hbm>> -> memref<1x18432xf32, #tpu.memory_space<hbm>>
    %dma_start3A_80 = arith.constant 43 : i32
    %dma_start3A_81 = arith.constant 0 : i32
    %dma_start3A_82 = tpu.memref_slice %arg4[%add3A_75, %dma_start3A_80, %dma_start3A_81] : memref<128x50x18432xf32, #tpu.memory_space<hbm>> -> memref<1x1x18432xf32, #tpu.memory_space<hbm>>
    %dma_start3A_83 = tpu.memref_squeeze %dma_start3A_82 : memref<1x1x18432xf32, #tpu.memory_space<hbm>> -> memref<1x18432xf32, #tpu.memory_space<hbm>>
    tpu.enqueue_dma source(%arg7 : memref<1x18432xf32, #tpu.memory_space<vmem>>) target(%dma_start3A_83 : memref<1x18432xf32, #tpu.memory_space<hbm>>) target_semaphore(%arg15 : memref<!tpu.dma_semaphore, #tpu.memory_space<semaphore_mem>>)
    %dma_wait3A_84 = arith.constant 0 : i32
    %dma_wait3A_85 = arith.constant 0 : i32
    %dma_wait3A_86 = arith.constant 0 : i32
    %dma_wait3A_87 = tpu.memref_slice %arg4[%dma_wait3A_84, %dma_wait3A_85, %dma_wait3A_86] : memref<128x50x18432xf32, #tpu.memory_space<hbm>> -> memref<1x1x18432xf32, #tpu.memory_space<hbm>>
    %dma_wait3A_88 = tpu.memref_squeeze %dma_wait3A_87 : memref<1x1x18432xf32, #tpu.memory_space<hbm>> -> memref<1x18432xf32, #tpu.memory_space<hbm>>
    %dma_wait3A_89 = arith.constant 0 : i32
    %dma_wait3A_90 = arith.constant 0 : i32
    %dma_wait3A_91 = tpu.memref_slice %arg4[%dma_wait3A_84, %dma_wait3A_89, %dma_wait3A_90] : memref<128x50x18432xf32, #tpu.memory_space<hbm>> -> memref<1x1x18432xf32, #tpu.memory_space<hbm>>
    %dma_wait3A_92 = tpu.memref_squeeze %dma_wait3A_91 : memref<1x1x18432xf32, #tpu.memory_space<hbm>> -> memref<1x18432xf32, #tpu.memory_space<hbm>>
    tpu.wait_dma2 semaphore(%arg15 : memref<!tpu.dma_semaphore, #tpu.memory_space<semaphore_mem>>) src(%arg7 : memref<1x18432xf32, #tpu.memory_space<vmem>>) dst(%dma_wait3A_92 : memref<1x18432xf32, #tpu.memory_space<hbm>>)
    %slice3A_93 = vector.extract_strided_slice %get3A_33 {offsets = [5], sizes = [1], strides = [1]} : vector<16xi32> to vector<1xi32>
    %squeeze3A_94 = vector.extract %slice3A_93[0] : i32 from vector<1xi32>
    %dma_start3A_95 = arith.constant 0 : i32
    %dma_start3A_96 = tpu.memref_slice %arg2[%squeeze3A_94, %dma_start3A_95] : memref<50x18432xf32, #tpu.memory_space<hbm>> -> memref<1x18432xf32, #tpu.memory_space<hbm>>
    %dma_start3A_97 = arith.constant 0 : i32
    %dma_start3A_98 = tpu.memref_slice %arg2[%squeeze3A_94, %dma_start3A_97] : memref<50x18432xf32, #tpu.memory_space<hbm>> -> memref<1x18432xf32, #tpu.memory_space<hbm>>
    tpu.enqueue_dma source(%dma_start3A_98 : memref<1x18432xf32, #tpu.memory_space<hbm>>) target(%arg7 : memref<1x18432xf32, #tpu.memory_space<vmem>>) target_semaphore(%arg11 : memref<!tpu.dma_semaphore, #tpu.memory_space<semaphore_mem>>)
    %dma_wait3A_99 = arith.constant 0 : i32
    %dma_wait3A_100 = arith.constant 0 : i32
    %dma_wait3A_101 = tpu.memref_slice %arg2[%dma_wait3A_99, %dma_wait3A_100] : memref<50x18432xf32, #tpu.memory_space<hbm>> -> memref<1x18432xf32, #tpu.memory_space<hbm>>
    %dma_wait3A_102 = arith.constant 0 : i32
    %dma_wait3A_103 = arith.constant 0 : i32
    %dma_wait3A_104 = tpu.memref_slice %arg2[%dma_wait3A_102, %dma_wait3A_103] : memref<50x18432xf32, #tpu.memory_space<hbm>> -> memref<1x18432xf32, #tpu.memory_space<hbm>>
    tpu.wait_dma2 semaphore(%arg12 : memref<!tpu.dma_semaphore, #tpu.memory_space<semaphore_mem>>) src(%dma_wait3A_104 : memref<1x18432xf32, #tpu.memory_space<hbm>>) dst(%arg8 : memref<1x18432xf32, #tpu.memory_space<vmem>>)
    %mul3A_105 = arith.constant 4 : i32
    %mul3A_106 = arith.muli %mul3A_105, %add3A : i32
    %add3A_107 = arith.constant 3 : i32
    %add3A_108 = arith.addi %mul3A_106, %add3A_107 : i32
    %dma_start3A_109 = arith.constant 44 : i32
    %dma_start3A_110 = arith.constant 0 : i32
    %dma_start3A_111 = tpu.memref_slice %arg4[%add3A_108, %dma_start3A_109, %dma_start3A_110] : memref<128x50x18432xf32, #tpu.memory_space<hbm>> -> memref<1x1x18432xf32, #tpu.memory_space<hbm>>
    %dma_start3A_112 = tpu.memref_squeeze %dma_start3A_111 : memref<1x1x18432xf32, #tpu.memory_space<hbm>> -> memref<1x18432xf32, #tpu.memory_space<hbm>>
    %dma_start3A_113 = arith.constant 44 : i32
    %dma_start3A_114 = arith.constant 0 : i32
    %dma_start3A_115 = tpu.memref_slice %arg4[%add3A_108, %dma_start3A_113, %dma_start3A_114] : memref<128x50x18432xf32, #tpu.memory_space<hbm>> -> memref<1x1x18432xf32, #tpu.memory_space<hbm>>
    %dma_start3A_116 = tpu.memref_squeeze %dma_start3A_115 : memref<1x1x18432xf32, #tpu.memory_space<hbm>> -> memref<1x18432xf32, #tpu.memory_space<hbm>>
    tpu.enqueue_dma source(%arg8 : memref<1x18432xf32, #tpu.memory_space<vmem>>) target(%dma_start3A_116 : memref<1x18432xf32, #tpu.memory_space<hbm>>) target_semaphore(%arg16 : memref<!tpu.dma_semaphore, #tpu.memory_space<semaphore_mem>>)
    %dma_wait3A_117 = arith.constant 0 : i32
    %dma_wait3A_118 = arith.constant 0 : i32
    %dma_wait3A_119 = arith.constant 0 : i32
    %dma_wait3A_120 = tpu.memref_slice %arg4[%dma_wait3A_117, %dma_wait3A_118, %dma_wait3A_119] : memref<128x50x18432xf32, #tpu.memory_space<hbm>> -> memref<1x1x18432xf32, #tpu.memory_space<hbm>>
    %dma_wait3A_121 = tpu.memref_squeeze %dma_wait3A_120 : memref<1x1x18432xf32, #tpu.memory_space<hbm>> -> memref<1x18432xf32, #tpu.memory_space<hbm>>
    %dma_wait3A_122 = arith.constant 0 : i32
    %dma_wait3A_123 = arith.constant 0 : i32
    %dma_wait3A_124 = tpu.memref_slice %arg4[%dma_wait3A_117, %dma_wait3A_122, %dma_wait3A_123] : memref<128x50x18432xf32, #tpu.memory_space<hbm>> -> memref<1x1x18432xf32, #tpu.memory_space<hbm>>
    %dma_wait3A_125 = tpu.memref_squeeze %dma_wait3A_124 : memref<1x1x18432xf32, #tpu.memory_space<hbm>> -> memref<1x18432xf32, #tpu.memory_space<hbm>>
    tpu.wait_dma2 semaphore(%arg16 : memref<!tpu.dma_semaphore, #tpu.memory_space<semaphore_mem>>) src(%arg8 : memref<1x18432xf32, #tpu.memory_space<vmem>>) dst(%dma_wait3A_125 : memref<1x18432xf32, #tpu.memory_space<hbm>>)
    %slice3A_126 = vector.extract_strided_slice %get3A_33 {offsets = [6], sizes = [1], strides = [1]} : vector<16xi32> to vector<1xi32>
    %squeeze3A_127 = vector.extract %slice3A_126[0] : i32 from vector<1xi32>
    %dma_start3A_128 = arith.constant 0 : i32
    %dma_start3A_129 = tpu.memref_slice %arg2[%squeeze3A_127, %dma_start3A_128] : memref<50x18432xf32, #tpu.memory_space<hbm>> -> memref<1x18432xf32, #tpu.memory_space<hbm>>
    %dma_start3A_130 = arith.constant 0 : i32
    %dma_start3A_131 = tpu.memref_slice %arg2[%squeeze3A_127, %dma_start3A_130] : memref<50x18432xf32, #tpu.memory_space<hbm>> -> memref<1x18432xf32, #tpu.memory_space<hbm>>
    tpu.enqueue_dma source(%dma_start3A_131 : memref<1x18432xf32, #tpu.memory_space<hbm>>) target(%arg8 : memref<1x18432xf32, #tpu.memory_space<vmem>>) target_semaphore(%arg12 : memref<!tpu.dma_semaphore, #tpu.memory_space<semaphore_mem>>)
    %dma_wait3A_132 = arith.constant 0 : i32
    %dma_wait3A_133 = arith.constant 0 : i32
    %dma_wait3A_134 = tpu.memref_slice %arg2[%dma_wait3A_132, %dma_wait3A_133] : memref<50x18432xf32, #tpu.memory_space<hbm>> -> memref<1x18432xf32, #tpu.memory_space<hbm>>
    %dma_wait3A_135 = arith.constant 0 : i32
    %dma_wait3A_136 = arith.constant 0 : i32
    %dma_wait3A_137 = tpu.memref_slice %arg2[%dma_wait3A_135, %dma_wait3A_136] : memref<50x18432xf32, #tpu.memory_space<hbm>> -> memref<1x18432xf32, #tpu.memory_space<hbm>>
    tpu.wait_dma2 semaphore(%arg13 : memref<!tpu.dma_semaphore, #tpu.memory_space<semaphore_mem>>) src(%dma_wait3A_137 : memref<1x18432xf32, #tpu.memory_space<hbm>>) dst(%arg9 : memref<1x18432xf32, #tpu.memory_space<vmem>>)
    %mul3A_138 = arith.constant 4 : i32
    %mul3A_139 = arith.muli %mul3A_138, %add3A : i32
    %add3A_140 = arith.constant 3 : i32
    %add3A_141 = arith.addi %mul3A_139, %add3A_140 : i32
    %dma_start3A_142 = arith.constant 45 : i32
    %dma_start3A_143 = arith.constant 0 : i32
    %dma_start3A_144 = tpu.memref_slice %arg4[%add3A_141, %dma_start3A_142, %dma_start3A_143] : memref<128x50x18432xf32, #tpu.memory_space<hbm>> -> memref<1x1x18432xf32, #tpu.memory_space<hbm>>
    %dma_start3A_145 = tpu.memref_squeeze %dma_start3A_144 : memref<1x1x18432xf32, #tpu.memory_space<hbm>> -> memref<1x18432xf32, #tpu.memory_space<hbm>>
    %dma_start3A_146 = arith.constant 45 : i32
    %dma_start3A_147 = arith.constant 0 : i32
    %dma_start3A_148 = tpu.memref_slice %arg4[%add3A_141, %dma_start3A_146, %dma_start3A_147] : memref<128x50x18432xf32, #tpu.memory_space<hbm>> -> memref<1x1x18432xf32, #tpu.memory_space<hbm>>
    %dma_start3A_149 = tpu.memref_squeeze %dma_start3A_148 : memref<1x1x18432xf32, #tpu.memory_space<hbm>> -> memref<1x18432xf32, #tpu.memory_space<hbm>>
    tpu.enqueue_dma source(%arg9 : memref<1x18432xf32, #tpu.memory_space<vmem>>) target(%dma_start3A_149 : memref<1x18432xf32, #tpu.memory_space<hbm>>) target_semaphore(%arg17 : memref<!tpu.dma_semaphore, #tpu.memory_space<semaphore_mem>>)
    %dma_wait3A_150 = arith.constant 0 : i32
    %dma_wait3A_151 = arith.constant 0 : i32
    %dma_wait3A_152 = arith.constant 0 : i32
    %dma_wait3A_153 = tpu.memref_slice %arg4[%dma_wait3A_150, %dma_wait3A_151, %dma_wait3A_152] : memref<128x50x18432xf32, #tpu.memory_space<hbm>> -> memref<1x1x18432xf32, #tpu.memory_space<hbm>>
    %dma_wait3A_154 = tpu.memref_squeeze %dma_wait3A_153 : memref<1x1x18432xf32, #tpu.memory_space<hbm>> -> memref<1x18432xf32, #tpu.memory_space<hbm>>
    %dma_wait3A_155 = arith.constant 0 : i32
    %dma_wait3A_156 = arith.constant 0 : i32
    %dma_wait3A_157 = tpu.memref_slice %arg4[%dma_wait3A_150, %dma_wait3A_155, %dma_wait3A_156] : memref<128x50x18432xf32, #tpu.memory_space<hbm>> -> memref<1x1x18432xf32, #tpu.memory_space<hbm>>
    %dma_wait3A_158 = tpu.memref_squeeze %dma_wait3A_157 : memref<1x1x18432xf32, #tpu.memory_space<hbm>> -> memref<1x18432xf32, #tpu.memory_space<hbm>>
    tpu.wait_dma2 semaphore(%arg17 : memref<!tpu.dma_semaphore, #tpu.memory_space<semaphore_mem>>) src(%arg9 : memref<1x18432xf32, #tpu.memory_space<vmem>>) dst(%dma_wait3A_158 : memref<1x18432xf32, #tpu.memory_space<hbm>>)
    %slice3A_159 = vector.extract_strided_slice %get3A_33 {offsets = [7], sizes = [1], strides = [1]} : vector<16xi32> to vector<1xi32>
    %squeeze3A_160 = vector.extract %slice3A_159[0] : i32 from vector<1xi32>
    %dma_start3A_161 = arith.constant 0 : i32
    %dma_start3A_162 = tpu.memref_slice %arg2[%squeeze3A_160, %dma_start3A_161] : memref<50x18432xf32, #tpu.memory_space<hbm>> -> memref<1x18432xf32, #tpu.memory_space<hbm>>
    %dma_start3A_163 = arith.constant 0 : i32
    %dma_start3A_164 = tpu.memref_slice %arg2[%squeeze3A_160, %dma_start3A_163] : memref<50x18432xf32, #tpu.memory_space<hbm>> -> memref<1x18432xf32, #tpu.memory_space<hbm>>
    tpu.enqueue_dma source(%dma_start3A_164 : memref<1x18432xf32, #tpu.memory_space<hbm>>) target(%arg9 : memref<1x18432xf32, #tpu.memory_space<vmem>>) target_semaphore(%arg13 : memref<!tpu.dma_semaphore, #tpu.memory_space<semaphore_mem>>)
    %dma_wait3A_165 = arith.constant 0 : i32
    %dma_wait3A_166 = arith.constant 0 : i32
    %dma_wait3A_167 = tpu.memref_slice %arg2[%dma_wait3A_165, %dma_wait3A_166] : memref<50x18432xf32, #tpu.memory_space<hbm>> -> memref<1x18432xf32, #tpu.memory_space<hbm>>
    %dma_wait3A_168 = arith.constant 0 : i32
    %dma_wait3A_169 = arith.constant 0 : i32
    %dma_wait3A_170 = tpu.memref_slice %arg2[%dma_wait3A_168, %dma_wait3A_169] : memref<50x18432xf32, #tpu.memory_space<hbm>> -> memref<1x18432xf32, #tpu.memory_space<hbm>>
    tpu.wait_dma2 semaphore(%arg10 : memref<!tpu.dma_semaphore, #tpu.memory_space<semaphore_mem>>) src(%dma_wait3A_170 : memref<1x18432xf32, #tpu.memory_space<hbm>>) dst(%arg6 : memref<1x18432xf32, #tpu.memory_space<vmem>>)
    %mul3A_171 = arith.constant 4 : i32
    %mul3A_172 = arith.muli %mul3A_171, %add3A : i32
    %add3A_173 = arith.constant 3 : i32
    %add3A_174 = arith.addi %mul3A_172, %add3A_173 : i32
    %dma_start3A_175 = arith.constant 46 : i32
    %dma_start3A_176 = arith.constant 0 : i32
    %dma_start3A_177 = tpu.memref_slice %arg4[%add3A_174, %dma_start3A_175, %dma_start3A_176] : memref<128x50x18432xf32, #tpu.memory_space<hbm>> -> memref<1x1x18432xf32, #tpu.memory_space<hbm>>
    %dma_start3A_178 = tpu.memref_squeeze %dma_start3A_177 : memref<1x1x18432xf32, #tpu.memory_space<hbm>> -> memref<1x18432xf32, #tpu.memory_space<hbm>>
    %dma_start3A_179 = arith.constant 46 : i32
    %dma_start3A_180 = arith.constant 0 : i32
    %dma_start3A_181 = tpu.memref_slice %arg4[%add3A_174, %dma_start3A_179, %dma_start3A_180] : memref<128x50x18432xf32, #tpu.memory_space<hbm>> -> memref<1x1x18432xf32, #tpu.memory_space<hbm>>
    %dma_start3A_182 = tpu.memref_squeeze %dma_start3A_181 : memref<1x1x18432xf32, #tpu.memory_space<hbm>> -> memref<1x18432xf32, #tpu.memory_space<hbm>>
    tpu.enqueue_dma source(%arg6 : memref<1x18432xf32, #tpu.memory_space<vmem>>) target(%dma_start3A_182 : memref<1x18432xf32, #tpu.memory_space<hbm>>) target_semaphore(%arg14 : memref<!tpu.dma_semaphore, #tpu.memory_space<semaphore_mem>>)
    %dma_wait3A_183 = arith.constant 0 : i32
    %dma_wait3A_184 = arith.constant 0 : i32
    %dma_wait3A_185 = arith.constant 0 : i32
    %dma_wait3A_186 = tpu.memref_slice %arg4[%dma_wait3A_183, %dma_wait3A_184, %dma_wait3A_185] : memref<128x50x18432xf32, #tpu.memory_space<hbm>> -> memref<1x1x18432xf32, #tpu.memory_space<hbm>>
    %dma_wait3A_187 = tpu.memref_squeeze %dma_wait3A_186 : memref<1x1x18432xf32, #tpu.memory_space<hbm>> -> memref<1x18432xf32, #tpu.memory_space<hbm>>
    %dma_wait3A_188 = arith.constant 0 : i32
    %dma_wait3A_189 = arith.constant 0 : i32
    %dma_wait3A_190 = tpu.memref_slice %arg4[%dma_wait3A_183, %dma_wait3A_188, %dma_wait3A_189] : memref<128x50x18432xf32, #tpu.memory_space<hbm>> -> memref<1x1x18432xf32, #tpu.memory_space<hbm>>
    %dma_wait3A_191 = tpu.memref_squeeze %dma_wait3A_190 : memref<1x1x18432xf32, #tpu.memory_space<hbm>> -> memref<1x18432xf32, #tpu.memory_space<hbm>>
    tpu.wait_dma2 semaphore(%arg14 : memref<!tpu.dma_semaphore, #tpu.memory_space<semaphore_mem>>) src(%arg6 : memref<1x18432xf32, #tpu.memory_space<vmem>>) dst(%dma_wait3A_191 : memref<1x18432xf32, #tpu.memory_space<hbm>>)
    %dma_wait3A_192 = arith.constant 0 : i32
    %dma_wait3A_193 = arith.constant 0 : i32
    %dma_wait3A_194 = tpu.memref_slice %arg2[%dma_wait3A_192, %dma_wait3A_193] : memref<50x18432xf32, #tpu.memory_space<hbm>> -> memref<1x18432xf32, #tpu.memory_space<hbm>>
    %dma_wait3A_195 = arith.constant 0 : i32
    %dma_wait3A_196 = arith.constant 0 : i32
    %dma_wait3A_197 = tpu.memref_slice %arg2[%dma_wait3A_195, %dma_wait3A_196] : memref<50x18432xf32, #tpu.memory_space<hbm>> -> memref<1x18432xf32, #tpu.memory_space<hbm>>
    tpu.wait_dma2 semaphore(%arg11 : memref<!tpu.dma_semaphore, #tpu.memory_space<semaphore_mem>>) src(%dma_wait3A_197 : memref<1x18432xf32, #tpu.memory_space<hbm>>) dst(%arg7 : memref<1x18432xf32, #tpu.memory_space<vmem>>)
    %mul3A_198 = arith.constant 4 : i32
    %mul3A_199 = arith.muli %mul3A_198, %add3A : i32
    %add3A_200 = arith.constant 3 : i32
    %add3A_201 = arith.addi %mul3A_199, %add3A_200 : i32
    %dma_start3A_202 = arith.constant 47 : i32
    %dma_start3A_203 = arith.constant 0 : i32
    %dma_start3A_204 = tpu.memref_slice %arg4[%add3A_201, %dma_start3A_202, %dma_start3A_203] : memref<128x50x18432xf32, #tpu.memory_space<hbm>> -> memref<1x1x18432xf32, #tpu.memory_space<hbm>>
    %dma_start3A_205 = tpu.memref_squeeze %dma_start3A_204 : memref<1x1x18432xf32, #tpu.memory_space<hbm>> -> memref<1x18432xf32, #tpu.memory_space<hbm>>
    %dma_start3A_206 = arith.constant 47 : i32
    %dma_start3A_207 = arith.constant 0 : i32
    %dma_start3A_208 = tpu.memref_slice %arg4[%add3A_201, %dma_start3A_206, %dma_start3A_207] : memref<128x50x18432xf32, #tpu.memory_space<hbm>> -> memref<1x1x18432xf32, #tpu.memory_space<hbm>>
    %dma_start3A_209 = tpu.memref_squeeze %dma_start3A_208 : memref<1x1x18432xf32, #tpu.memory_space<hbm>> -> memref<1x18432xf32, #tpu.memory_space<hbm>>
    tpu.enqueue_dma source(%arg7 : memref<1x18432xf32, #tpu.memory_space<vmem>>) target(%dma_start3A_209 : memref<1x18432xf32, #tpu.memory_space<hbm>>) target_semaphore(%arg15 : memref<!tpu.dma_semaphore, #tpu.memory_space<semaphore_mem>>)
    %dma_wait3A_210 = arith.constant 0 : i32
    %dma_wait3A_211 = arith.constant 0 : i32
    %dma_wait3A_212 = arith.constant 0 : i32
    %dma_wait3A_213 = tpu.memref_slice %arg4[%dma_wait3A_210, %dma_wait3A_211, %dma_wait3A_212] : memref<128x50x18432xf32, #tpu.memory_space<hbm>> -> memref<1x1x18432xf32, #tpu.memory_space<hbm>>
    %dma_wait3A_214 = tpu.memref_squeeze %dma_wait3A_213 : memref<1x1x18432xf32, #tpu.memory_space<hbm>> -> memref<1x18432xf32, #tpu.memory_space<hbm>>
    %dma_wait3A_215 = arith.constant 0 : i32
    %dma_wait3A_216 = arith.constant 0 : i32
    %dma_wait3A_217 = tpu.memref_slice %arg4[%dma_wait3A_210, %dma_wait3A_215, %dma_wait3A_216] : memref<128x50x18432xf32, #tpu.memory_space<hbm>> -> memref<1x1x18432xf32, #tpu.memory_space<hbm>>
    %dma_wait3A_218 = tpu.memref_squeeze %dma_wait3A_217 : memref<1x1x18432xf32, #tpu.memory_space<hbm>> -> memref<1x18432xf32, #tpu.memory_space<hbm>>
    tpu.wait_dma2 semaphore(%arg15 : memref<!tpu.dma_semaphore, #tpu.memory_space<semaphore_mem>>) src(%arg7 : memref<1x18432xf32, #tpu.memory_space<vmem>>) dst(%dma_wait3A_218 : memref<1x18432xf32, #tpu.memory_space<hbm>>)
    %dma_wait3A_219 = arith.constant 0 : i32
    %dma_wait3A_220 = arith.constant 0 : i32
    %dma_wait3A_221 = tpu.memref_slice %arg2[%dma_wait3A_219, %dma_wait3A_220] : memref<50x18432xf32, #tpu.memory_space<hbm>> -> memref<1x18432xf32, #tpu.memory_space<hbm>>
    %dma_wait3A_222 = arith.constant 0 : i32
    %dma_wait3A_223 = arith.constant 0 : i32
    %dma_wait3A_224 = tpu.memref_slice %arg2[%dma_wait3A_222, %dma_wait3A_223] : memref<50x18432xf32, #tpu.memory_space<hbm>> -> memref<1x18432xf32, #tpu.memory_space<hbm>>
    tpu.wait_dma2 semaphore(%arg12 : memref<!tpu.dma_semaphore, #tpu.memory_space<semaphore_mem>>) src(%dma_wait3A_224 : memref<1x18432xf32, #tpu.memory_space<hbm>>) dst(%arg8 : memref<1x18432xf32, #tpu.memory_space<vmem>>)
    %mul3A_225 = arith.constant 4 : i32
    %mul3A_226 = arith.muli %mul3A_225, %add3A : i32
    %add3A_227 = arith.constant 3 : i32
    %add3A_228 = arith.addi %mul3A_226, %add3A_227 : i32
    %dma_start3A_229 = arith.constant 48 : i32
    %dma_start3A_230 = arith.constant 0 : i32
    %dma_start3A_231 = tpu.memref_slice %arg4[%add3A_228, %dma_start3A_229, %dma_start3A_230] : memref<128x50x18432xf32, #tpu.memory_space<hbm>> -> memref<1x1x18432xf32, #tpu.memory_space<hbm>>
    %dma_start3A_232 = tpu.memref_squeeze %dma_start3A_231 : memref<1x1x18432xf32, #tpu.memory_space<hbm>> -> memref<1x18432xf32, #tpu.memory_space<hbm>>
    %dma_start3A_233 = arith.constant 48 : i32
    %dma_start3A_234 = arith.constant 0 : i32
    %dma_start3A_235 = tpu.memref_slice %arg4[%add3A_228, %dma_start3A_233, %dma_start3A_234] : memref<128x50x18432xf32, #tpu.memory_space<hbm>> -> memref<1x1x18432xf32, #tpu.memory_space<hbm>>
    %dma_start3A_236 = tpu.memref_squeeze %dma_start3A_235 : memref<1x1x18432xf32, #tpu.memory_space<hbm>> -> memref<1x18432xf32, #tpu.memory_space<hbm>>
    tpu.enqueue_dma source(%arg8 : memref<1x18432xf32, #tpu.memory_space<vmem>>) target(%dma_start3A_236 : memref<1x18432xf32, #tpu.memory_space<hbm>>) target_semaphore(%arg16 : memref<!tpu.dma_semaphore, #tpu.memory_space<semaphore_mem>>)
    %dma_wait3A_237 = arith.constant 0 : i32
    %dma_wait3A_238 = arith.constant 0 : i32
    %dma_wait3A_239 = arith.constant 0 : i32
    %dma_wait3A_240 = tpu.memref_slice %arg4[%dma_wait3A_237, %dma_wait3A_238, %dma_wait3A_239] : memref<128x50x18432xf32, #tpu.memory_space<hbm>> -> memref<1x1x18432xf32, #tpu.memory_space<hbm>>
    %dma_wait3A_241 = tpu.memref_squeeze %dma_wait3A_240 : memref<1x1x18432xf32, #tpu.memory_space<hbm>> -> memref<1x18432xf32, #tpu.memory_space<hbm>>
    %dma_wait3A_242 = arith.constant 0 : i32
    %dma_wait3A_243 = arith.constant 0 : i32
    %dma_wait3A_244 = tpu.memref_slice %arg4[%dma_wait3A_237, %dma_wait3A_242, %dma_wait3A_243] : memref<128x50x18432xf32, #tpu.memory_space<hbm>> -> memref<1x1x18432xf32, #tpu.memory_space<hbm>>
    %dma_wait3A_245 = tpu.memref_squeeze %dma_wait3A_244 : memref<1x1x18432xf32, #tpu.memory_space<hbm>> -> memref<1x18432xf32, #tpu.memory_space<hbm>>
    tpu.wait_dma2 semaphore(%arg16 : memref<!tpu.dma_semaphore, #tpu.memory_space<semaphore_mem>>) src(%arg8 : memref<1x18432xf32, #tpu.memory_space<vmem>>) dst(%dma_wait3A_245 : memref<1x18432xf32, #tpu.memory_space<hbm>>)
    %dma_wait3A_246 = arith.constant 0 : i32
    %dma_wait3A_247 = arith.constant 0 : i32
    %dma_wait3A_248 = tpu.memref_slice %arg2[%dma_wait3A_246, %dma_wait3A_247] : memref<50x18432xf32, #tpu.memory_space<hbm>> -> memref<1x18432xf32, #tpu.memory_space<hbm>>
    %dma_wait3A_249 = arith.constant 0 : i32
    %dma_wait3A_250 = arith.constant 0 : i32
    %dma_wait3A_251 = tpu.memref_slice %arg2[%dma_wait3A_249, %dma_wait3A_250] : memref<50x18432xf32, #tpu.memory_space<hbm>> -> memref<1x18432xf32, #tpu.memory_space<hbm>>
    tpu.wait_dma2 semaphore(%arg13 : memref<!tpu.dma_semaphore, #tpu.memory_space<semaphore_mem>>) src(%dma_wait3A_251 : memref<1x18432xf32, #tpu.memory_space<hbm>>) dst(%arg9 : memref<1x18432xf32, #tpu.memory_space<vmem>>)
    %mul3A_252 = arith.constant 4 : i32
    %mul3A_253 = arith.muli %mul3A_252, %add3A : i32
    %add3A_254 = arith.constant 3 : i32
    %add3A_255 = arith.addi %mul3A_253, %add3A_254 : i32
    %dma_start3A_256 = arith.constant 49 : i32
    %dma_start3A_257 = arith.constant 0 : i32
    %dma_start3A_258 = tpu.memref_slice %arg4[%add3A_255, %dma_start3A_256, %dma_start3A_257] : memref<128x50x18432xf32, #tpu.memory_space<hbm>> -> memref<1x1x18432xf32, #tpu.memory_space<hbm>>
    %dma_start3A_259 = tpu.memref_squeeze %dma_start3A_258 : memref<1x1x18432xf32, #tpu.memory_space<hbm>> -> memref<1x18432xf32, #tpu.memory_space<hbm>>
    %dma_start3A_260 = arith.constant 49 : i32
    %dma_start3A_261 = arith.constant 0 : i32
    %dma_start3A_262 = tpu.memref_slice %arg4[%add3A_255, %dma_start3A_260, %dma_start3A_261] : memref<128x50x18432xf32, #tpu.memory_space<hbm>> -> memref<1x1x18432xf32, #tpu.memory_space<hbm>>
    %dma_start3A_263 = tpu.memref_squeeze %dma_start3A_262 : memref<1x1x18432xf32, #tpu.memory_space<hbm>> -> memref<1x18432xf32, #tpu.memory_space<hbm>>
    tpu.enqueue_dma source(%arg9 : memref<1x18432xf32, #tpu.memory_space<vmem>>) target(%dma_start3A_263 : memref<1x18432xf32, #tpu.memory_space<hbm>>) target_semaphore(%arg17 : memref<!tpu.dma_semaphore, #tpu.memory_space<semaphore_mem>>)
    %dma_wait3A_264 = arith.constant 0 : i32
    %dma_wait3A_265 = arith.constant 0 : i32
    %dma_wait3A_266 = arith.constant 0 : i32
    %dma_wait3A_267 = tpu.memref_slice %arg4[%dma_wait3A_264, %dma_wait3A_265, %dma_wait3A_266] : memref<128x50x18432xf32, #tpu.memory_space<hbm>> -> memref<1x1x18432xf32, #tpu.memory_space<hbm>>
    %dma_wait3A_268 = tpu.memref_squeeze %dma_wait3A_267 : memref<1x1x18432xf32, #tpu.memory_space<hbm>> -> memref<1x18432xf32, #tpu.memory_space<hbm>>
    %dma_wait3A_269 = arith.constant 0 : i32
    %dma_wait3A_270 = arith.constant 0 : i32
    %dma_wait3A_271 = tpu.memref_slice %arg4[%dma_wait3A_264, %dma_wait3A_269, %dma_wait3A_270] : memref<128x50x18432xf32, #tpu.memory_space<hbm>> -> memref<1x1x18432xf32, #tpu.memory_space<hbm>>
    %dma_wait3A_272 = tpu.memref_squeeze %dma_wait3A_271 : memref<1x1x18432xf32, #tpu.memory_space<hbm>> -> memref<1x18432xf32, #tpu.memory_space<hbm>>
    tpu.wait_dma2 semaphore(%arg17 : memref<!tpu.dma_semaphore, #tpu.memory_space<semaphore_mem>>) src(%arg9 : memref<1x18432xf32, #tpu.memory_space<vmem>>) dst(%dma_wait3A_272 : memref<1x18432xf32, #tpu.memory_space<hbm>>)
    return
  }
}

</mosaic_0001>

<sc_bundles>
// kernel: kernel.3.cloned.1.call-start
scs
__scs_entry_jumppad:
0x0: {  	(pc) =	sbr.rel $0x88, $3  }
0x1: {  	(tag) =	ssettag $0x0;
	lr =	simm.s32 $0x1  }
0x2: {  	[smem:$0x3F9F] =	sst lr;
	_ =	strace $0xD0000000  }
0x3: {  	_ = 	snop  }
0x4: {  	_ = 	snop  }
0x5: {  	_ = 	snop  }
0x6: {  	_ = 	snop  }
0x7: {  	_ = 	snop  }
__scs_overlays_trampoline_lowered:
0x8: {  	[smem:$0x3FAE] =	sst s0  }
0x9: {  	[smem:$0x3FAF] =	sst s1  }
0xa: {  	[smem:$0x3FB0] =	sst s2  }
0xb: {  	[smem:$0x3FB1] =	sst s3  }
0xc: {  	[smem:$0x3FB2] =	sst s4  }
0xd: {  	[smem:$0x3FB3] =	sst s5  }
0xe: {  	[smem:$0x3FB4] =	sst s6  }
0xf: {  	[smem:$0x3FB5] =	sst s7  }
0x10: {  	[smem:$0x3FB6] =	sst s8  }
0x11: {  	[smem:$0x3FB7] =	sst s9;
	s0 =	simm.s32 @!p0 $0x0  }
0x12: {  	s1 =	sld [smem:$0x3F9D];
	s0 =	simm.s32 @p0 $0x1  }
0x13: {  	[smem:$0x3FB8] =	sst s0;
	s0 =	simm.s32 @!p1 $0x0  }
0x14: {  	s2 =	sld [smem:$0x3F9C];
	s0 =	simm.s32 @p1 $0x1  }
0x15: {  	[smem:$0x3FB9] =	sst s0;
	s0 =	simm.s32 @!p2 $0x0  }
0x16: {  	s3 =	sld [smem:$0x3FDB];
	s0 =	simm.s32 @p2 $0x1  }
0x17: {  	s4 =	simm.s32 $0x1BF5;
	[smem:$0x3FBB] =	sst s0  }
0x18: {  	s0 =	sld [smem:$0x3F9E];
	_ =	swait.ge [sflag:s4], $0x0  }
0x19: {  	s7 =	sld [smem:$0x3F9F]  }
0x1a: {  	s8 =	sadd.s32 $0xFFFFE003, lr  }
0x1b: {  	s9 =	sadd.s32 $0xFFFFFEF7, lr;
	s5 =	simm.s32 $0xFFFFFFFF;
	p2 =	slt.u32 s8, $0xFFFFF086  }
0x1c: {  	p1 =	slt.u32 s9, $0xF7A;
	s5 =	simm.s32 @!p2 $0x0  }
0x1d: {  	s5 =	simm.s32 @p1 $0x1;
	p0 =	seq.s32 s7, s2  }
0x1e: {  	s7 =	smul.u32 @!p0 $0xF7A, s2;
	p2 =	seq.s32 @!p0 s5, $0x0  }
0x1f: {  	s9 =	smul.u32 $0xF7A, s1;
	s8 =	simm.s32 @!p0 $0x1BF5;
	p2 =	por !p2, p0  }
0x20: {  	[sflag:s8] =	ssyncset.s32 @!p0 $0xFFFFF086;
	s6 =	sadd.s32 @!p0 s3, s7;
	s7 =	simm.s32 @!p0 $0x108  }
0x21: {  	s3 =	sadd.s32 s3, s9;
	s6 =	sadd.s32 @!p0 $0x88, s6;
	s7 =	simm.s32 @p2 $0x1082  }
0x22: {  	[simem:s7], [sflag:s8] =	dma.local @!p0 [hbm:s6], $0xF7A  }
0x23: {  	s9 =	sor.u32 $0xD0000000, s2;
	s6 =	simm.s32 $0x108;
	_ =	swait.ge @!p0 [sflag:s8], $0x0  }
0x24: {  	s3 =	sadd.s32 $0x88, s3;
	s6 =	simm.s32 @!p1 $0x1082;
	[sflag:s4] =	ssyncset.s32 $0xFFFFF086  }
0x25: {  	[simem:s6], [sflag:s4] =	dma.local [hbm:s3], $0xF7A  }
0x26: {  	[smem:$0x3F9F] =	sst s1;
	(tag) =	ssettag s2;
	_ =	strace s9  }
0x27: {  	s1 =	sld [smem:$0x3FAF]  }
0x28: {  	s2 =	sld [smem:$0x3FB0]  }
0x29: {  	s4 =	sld [smem:$0x3FB2]  }
0x2a: {  	p0 =	seq.s32 s5, $0x0;
	s5 =	sld [smem:$0x3FB3]  }
0x2b: {  	s6 =	sld [smem:$0x3FB4]  }
0x2c: {  	s7 =	sld [smem:$0x3FB5]  }
0x2d: {  	s3 =	simm.s32 $0x108;
	s8 =	sld [smem:$0x3FB6]  }
0x2e: {  	s3 =	simm.s32 @!p0 $0x1082;
	s9 =	sld [smem:$0x3FB7]  }
0x2f: {  	lr =	sadd.s32 s0, s3;
	s0 =	sld [smem:$0x3FAE]  }
0x30: {  	s3 =	sld [smem:$0x3FB1]  }
0x31: {  	[smem:$0x3FBA] =	sst s10  }
0x32: {  	s10 =	sld [smem:$0x3FB8];
	_ =	sdelay $0x3  }
0x33: {  	p0 =	seq.s32 s10, $0x1;
	s10 =	sld [smem:$0x3FBA];
	_ =	sdelay $0x3  }
0x34: {  	[smem:$0x3FBA] =	sst s10  }
0x35: {  	s10 =	sld [smem:$0x3FB9];
	_ =	sdelay $0x3  }
0x36: {  	p1 =	seq.s32 s10, $0x1;
	s10 =	sld [smem:$0x3FBA];
	_ =	sdelay $0x3  }
0x37: {  	[smem:$0x3FBA] =	sst s10  }
0x38: {  	s10 =	sld [smem:$0x3FBB]  }
0x39: {  	_ = 	snop;
	(pc) =	sbr.ind lr, $3  }
0x3a: {  	_ = 	snop  }
0x3b: {  	_ = 	snop  }
0x3c: {  	p2 =	seq.s32 s10, $0x1;
	s10 =	sld [smem:$0x3FBA]  }
0x3d: {  	_ =	shalt  }
0x3e: {  	_ =	shalt  }
0x3f: {  	_ =	shalt  }
0x40: {  	_ =	shalt  }
0x41: {  	_ =	shalt  }
0x42: {  	_ =	shalt  }
0x43: {  	_ =	shalt  }
0x44: {  	_ =	shalt  }
0x45: {  	_ =	shalt  }
0x46: {  	_ =	shalt  }
0x47: {  	_ =	shalt  }
0x48: {  	_ =	shalt  }
0x49: {  	_ =	shalt  }
0x4a: {  	_ =	shalt  }
0x4b: {  	_ =	shalt  }
0x4c: {  	_ =	shalt  }
0x4d: {  	_ =	shalt  }
0x4e: {  	_ =	shalt  }
0x4f: {  	_ =	shalt  }
0x50: {  	_ =	shalt  }
0x51: {  	_ =	shalt  }
0x52: {  	_ =	shalt  }
0x53: {  	_ =	shalt  }
0x54: {  	_ =	shalt  }
0x55: {  	_ =	shalt  }
0x56: {  	_ =	shalt  }
0x57: {  	_ =	shalt  }
0x58: {  	_ =	shalt  }
0x59: {  	_ =	shalt  }
0x5a: {  	_ =	shalt  }
0x5b: {  	_ =	shalt  }
0x5c: {  	_ =	shalt  }
0x5d: {  	_ =	shalt  }
0x5e: {  	_ =	shalt  }
0x5f: {  	_ =	shalt  }
0x60: {  	_ =	shalt  }
0x61: {  	_ =	shalt  }
0x62: {  	_ =	shalt  }
0x63: {  	_ =	shalt  }
0x64: {  	_ =	shalt  }
0x65: {  	_ =	shalt  }
0x66: {  	_ =	shalt  }
0x67: {  	_ =	shalt  }
0x68: {  	_ =	shalt  }
0x69: {  	_ =	shalt  }
0x6a: {  	_ =	shalt  }
0x6b: {  	_ =	shalt  }
0x6c: {  	_ =	shalt  }
0x6d: {  	_ =	shalt  }
0x6e: {  	_ =	shalt  }
0x6f: {  	_ =	shalt  }
0x70: {  	_ =	shalt  }
0x71: {  	_ =	shalt  }
0x72: {  	_ =	shalt  }
0x73: {  	_ =	shalt  }
0x74: {  	_ =	shalt  }
0x75: {  	_ =	shalt  }
0x76: {  	_ =	shalt  }
0x77: {  	_ =	shalt  }
0x78: {  	_ =	shalt  }
0x79: {  	_ =	shalt  }
0x7a: {  	_ =	shalt  }
0x7b: {  	_ =	shalt  }
0x7c: {  	_ =	shalt  }
0x7d: {  	_ =	shalt  }
0x7e: {  	_ =	shalt  }
0x7f: {  	_ =	shalt  }
0x80: {  	_ =	shalt  }
0x81: {  	_ =	shalt  }
0x82: {  	_ =	shalt  }
0x83: {  	_ =	shalt  }
0x84: {  	_ =	shalt  }
0x85: {  	_ =	shalt  }
0x86: {  	_ =	shalt  }
0x87: {  	_ =	shalt  }
.Lfunc_end0:
.L_simem_size_0:
called_computation_lowered:
.L_overlay_start_0:
0x88: {  	s2 =	sld [smem:$0x3FD9]  }
0x89: {  	s3 =	sld [smem:$0x3FFE];
	_ =	sdelay $0x1  }
0x8a: {  	s1 =	srdreg.scid  }
0x8b: {  	s0 =	sand.u32 $0x1, s1  }
0x8c: {  	s17 =	sshll.u32 s0, $0xA;
	s2 =	sadd.s32 s3, s2  }
0x8d: {  	s2 =	sadd.s32 s2, s17  }
0x8e: {  	[smem:$0x3FC6] =	sst s2  }
0x8f: {  	_ = 	snop  }
0x90: {  	s2 =	sld [smem:$0x3FC8]  }
0x91: {  	s18 =	sld [smem:$0x3FD0];
	(tm) =	ssettm $0x1  }
0x92: {  	s4 =	sld [smem:$0x3FFB];
	_ =	sdelay $0x3  }
0x93: {  	_ =	strace s4  }
0x94: {  	s4 =	sld [smem:$0x3FFC];
	_ =	sdelay $0x3  }
0x95: {  	_ =	strace s4  }
0x96: {  	s4 =	sld [smem:$0x3FFD];
	_ =	sdelay $0x3  }
0x97: {  	_ =	strace s4  }
0x98: {  	_ =	strace $0x8FFFFFFF  }
0x99: {  	s19 =	sld [smem:$0x3FDB];
	_ =	sdelay $0x1  }
0x9a: {  	s5 =	simm.s32 $_scs_section_size  }
0x9b: {  	s6 =	simm.s32 $_size__tile_overlayer_lowered;
	s7 =	simm.s32 $_tile_overlayer_lowered  }
0x9c: {  	s22 =	simm.s32 $0x1BFF;
	s21 =	sshll.u32 s7, $0x1;
	s4 =	sadd.s32 s5, s19  }
0x9d: {  	s8 =	simm.s32 $0x0;
	s20 =	sshll.u32 s6, $0x1;
	s6 =	sadd.s32 s21, s4  }
0x9e: {  	[timem:s8], [sflag:s22] =	dma.local [hbm:s6], s20  }
0x9f: {  	_ =	swait.ge [sflag:s22], s20  }
0xa0: {  	s5 =	ssub.s32 $0x0, s20;
	[sflag:s22] =	ssyncset.done $0x0  }
0xa1: {  	[sflag:s22] =	ssyncadd.s32 s5;
	_ =	sdelay $0x1  }
0xa2: {  	s23 =	simm.s32 $0x1B8B  }
0xa3: {  	_ =	swait.ge [sflag:s23], $0x1  }
0xa4: {  	[sflag:s23] =	ssyncset.done $0x0  }
0xa5: {  	s25 =	simm.s32 $0x1B8E;
	s24 =	sld [smem:$0x3FFE];
	[sflag:s23] =	ssyncadd.s32 $0xFFFFFFFF  }
0xa6: {  	s26 =	simm.s32 $execute0_lowered;
	[smem:$0x3FD2] =	sst s25  }
0xa7: {  	s6 =	sshll.u32 s26, $0x1;
	_ =	strace $0x80000046;
	[dreg:$0x1] =	wrdreg $0xFFFFFFFF  }
0xa8: {  	s28 =	simm.s32 $_size_execute0_lowered;
	s4 =	sadd.s32 s4, s6;
	[dreg:$0x0] =	wrdreg $0x0  }
0xa9: {  	s6 =	sshll.u32 s28, $0x1;
	[dreg:$0x2] =	wrdreg s4  }
0xaa: {  	[dreg:$0x3] =	wrdreg s6  }
0xab: {  	[dreg:$0x4] =	wrdreg $0xC0  }
0xac: {  	_ =	task [dreg:s8], $0x5FFFF  }
0xad: {  	[dreg:$0x1] =	wrdreg $0xFFFFFFFF  }
0xae: {  	[dreg:$0x0] =	wrdreg $0x60  }
0xaf: {  	[dreg:$0x2] =	wrdreg s2  }
0xb0: {  	[dreg:$0x3] =	wrdreg s18  }
0xb1: {  	[dreg:$0x4] =	wrdreg s24  }
0xb2: {  	[dreg:$0x5] =	wrdreg $0x9  }
0xb3: {  	_ =	task.clear_ibuf [dreg:s8], $0x6FFFF;
	_ =	strace $0x90000046  }
0xb4: {  	s29 =	simm.s32 $0x9;
	_ =	strace $0x80000048  }
0xb5: {  	_ =	swait.ge [sflag:s29], $0x1  }
0xb6: {  	[sflag:s29] =	ssyncadd.s32 $0xFFFFFFFF  }
0xb7: {  	_ =	strace $0x90000048  }
0xb8: {  	_ =	sfence  }
0xb9: {  	s30 =	sld [smem:$0x0];
	_ =	sdelay $0x2  }
0xba: {  	s31 =	sshll.u32 s1, $0xD;
	s1 =	sshrl.u32 s1, $0x2  }
0xbb: {  	s3 =	sand.u32 $0x4000, s31;
	s1 =	sadd.s32 s1, s30  }
0xbc: {  	s0 =	sor.u32 s3, s0;
	s1 =	sshll.u32 s1, $0x11  }
0xbd: {  	s0 =	sor.u32 s1, s0  }
0xbe: {  	s0 =	sadd.s32 $0x8F2B, s0  }
0xbf: {  	[sflag:s0] =	ssyncadd.remote.s32 $0x1  }
0xc0: {  	_ =	sfence.sel $0xFFFF  }
0xc1: {  	[dreg:$0x0] =	wrdreg $0xFFFFFFFF;
	(pc) =	sbr.abs _section_cstart, $3  }
0xc2: {  	[dreg:$0x1] =	wrdreg $0xFFFFFFFF  }
0xc3: {  	_ =	task.clear_ibuf [dreg:s8], $0x2FFFF;
	_ =	strace $0x9FFFFFFF  }
0xc4: {  	(tm) =	ssettm $0x7FFFFFFF  }
0xc5: {  	_ =	shalt  }
tec
execute0_lowered:
.L_overlay_start_1:
0x0: {  	(tag) =	ssettag $0x1  }
0x1: {  	s0 =	rddreg [dreg:$0x1]  }
0x2: {  	s2 =	rddreg [dreg:$0x2]  }
0x3: {  	s3 =	simm.s32 $0x0;
	s13 =	srdreg.scid;
	s6 =	stileid.u32  }
0x4: {  	s8 =	simm.s32 $0x9100;
	[smem:$0x7FF] =	sst s3;
	s3 =	sand.u32 $0x1, s13  }
0x5: {  	s5 =	sshll.u32 s6, $0x1;
	s4 =	sadd.s32 $0x400, s2;
	s6 =	sshll.u32 s6, $0x6  }
0x6: {  	_ =	strace $0x80000047;
	s14 =	ssub.s32 $0x2, s3;
	s3 =	sor.u32 s3, s5  }
0x7: {  	s16 =	sand.u32 $0x300, s6;
	s7 =	smul.u32 $0x3F0000, s3;
	s17 =	sshll.u32 s3, $0x4  }
0x8: {  	s15 =	sshrl.u32 s14, $0x1;
	s0 =	sadd.s32 s0, s16;
	s6 =	sand.u32 $0x70, s17  }
0x9: {  	s2 =	ssub.s32 s14, s15;
	s18 =	sshrl.u32 s7, $0x3;
	s0 =	sadd.s32 s6, s0  }
0xa: {  	s31 =	smax.u32 s2, $0x1;
	[dreg:$0x4] =	wrdreg s0;
	s19 =	sadd.s32 s4, s18  }
0xb: {  	s9 =	simm.s32 $0xD900;
	[dreg:$0xd] =	wrdreg s31;
	s20 =	sadd.s32 $0x75020, s19  }
0xc: {  	s28 =	simm.s32 $0x3;
	s21 =	sadd.s32 $0x75030, s19;
	[dreg:$0x5] =	wrdreg s20  }
0xd: {  	s29 =	simm.s32 $0x7;
	s22 =	sadd.s32 $0x75040, s19;
	[dreg:$0x6] =	wrdreg s21  }
0xe: {  	s30 =	simm.s32 $0x4;
	s23 =	sadd.s32 $0x75050, s19;
	[dreg:$0x7] =	wrdreg s22  }
0xf: {  	s5 =	simm.s32 $0x100;
	s24 =	sadd.s32 $0x75060, s19;
	[dreg:$0x8] =	wrdreg s23  }
0x10: {  	s16 =	simm.s32 $0x80;
	s25 =	sadd.s32 $0x75070, s19;
	[dreg:$0x9] =	wrdreg s24  }
0x11: {  	s17 =	simm.s32 $0x400;
	s26 =	sadd.s32 $0x79800, s19;
	[dreg:$0xa] =	wrdreg s25  }
0x12: {  	s6 =	sshll.u32 s3, $0x2;
	s0 =	sadd.s32 $0x79810, s19;
	[dreg:$0xb] =	wrdreg s26  }
0x13: {  	s7 =	simm.s32 $0x4900;
	s2 =	simm.s32 $0x0;
	[dreg:$0xc] =	wrdreg s0  }
.LBB2_1:
0x14: {  	[dreg:$0xe] =	wrdreg s2  }
0x15: {  	s0 =	simm.s32 $0x0;
	s13 =	rddreg [dreg:$0x4];
	s25 =	simm.s32 $0x9  }
0x16: {  	[tilespmem:s0], [sflag:$0x9] =	stream.strided.gather [hbm4b:s13+s16], $0x100, s17, s16, $0x38;
	[tilespmem:$0x12100] =	vst v63  }
0x17: {  	_ =	swait.ge [sflag:s25], $0x100  }
0x18: {  	[sflag:s25] =	ssyncset.done $0x0  }
0x19: {  	[sflag:s25] =	ssyncadd.s32 $0xFFFFFF00  }
0x1a: {  	v0 =	vld [tilespmem:$0x0];
	_ =	sdelay $0x4  }
0x1b: {  	(v2sf) =	vpush v0, $0x0;
	_ =	sdelay $0x4  }
0x1c: {  	(v2sf) =	vpush v0, $0x1;
	_ =	sdelay $0x5  }
0x1d: {  	(v2sf) =	vpush v0, $0x2;
	_ =	sdelay $0x3  }
0x1e: {  	s14 =	spop (v2sf)  }
0x1f: {  	s3 =	sshrl.u32 s14, $0x3  }
0x20: {  	(v2sf) =	vpush v0, $0x3;
	s2 =	sshll.u32 s14, $0x7;
	s3 =	smul.u32 $0x24000, s3  }
0x21: {  	s2 =	sand.u32 $0x380, s2  }
0x22: {  	s2 =	sor.u32 s2, s3  }
0x23: {  	s15 =	rddreg [dreg:$0x0];
	s18 =	spop (v2sf);
	s2 =	sshrl.u32 s2, $0x3  }
0x24: {  	s19 =	sshrl.u32 s18, $0x3;
	s2 =	sadd.s32 s15, s2  }
0x25: {  	[tilespmem:s5], [sflag:$0x1] =	stream.strided.gather [hbm4b:s2+s16], $0x4800, s17, s16, $0x38;
	[tilespmem:$0x12100] =	vst v63  }
0x26: {  	s3 =	smul.u32 $0x24000, s19;
	s2 =	sshll.u32 s18, $0x7  }
0x27: {  	s2 =	sand.u32 $0x380, s2  }
0x28: {  	s2 =	sor.u32 s2, s3  }
0x29: {  	s20 =	spop (v2sf);
	s2 =	sshrl.u32 s2, $0x3  }
0x2a: {  	s21 =	sshrl.u32 s20, $0x3;
	s2 =	sadd.s32 s15, s2  }
0x2b: {  	[tilespmem:s7], [sflag:$0x2] =	stream.strided.gather [hbm4b:s2+s16], $0x4800, s17, s16, $0x38;
	[tilespmem:$0x12100] =	vst v63  }
0x2c: {  	s3 =	sshll.u32 s20, $0x7;
	s2 =	smul.u32 $0x24000, s21  }
0x2d: {  	s26 =	simm.s32 $0xC;
	s3 =	sand.u32 $0x380, s3  }
0x2e: {  	s24 =	simm.s32 $0xA;
	s11 =	simm.s32 $0x10;
	s2 =	sor.u32 s3, s2  }
0x2f: {  	s10 =	simm.s32 $0x2;
	s2 =	sshrl.u32 s2, $0x3;
	s22 =	spop (v2sf)  }
0x30: {  	s12 =	simm.s32 $0x3;
	s2 =	sadd.s32 s15, s2;
	s23 =	sshrl.u32 s22, $0x3  }
0x31: {  	[tilespmem:s8], [sflag:$0x3] =	stream.strided.gather [hbm4b:s2+s16], $0x4800, s17, s16, $0x38;
	[tilespmem:$0x12100] =	vst v63  }
0x32: {  	s31 =	simm.s32 $0x6;
	s3 =	smul.u32 $0x24000, s23;
	s2 =	sshll.u32 s22, $0x7  }
0x33: {  	s13 =	simm.s32 $0x4;
	[dreg:$0x14] =	wrdreg s24;
	s2 =	sand.u32 $0x380, s2  }
0x34: {  	s19 =	simm.s32 $0x8;
	s5 =	simm.s32 $0xE;
	s2 =	sor.u32 s2, s3  }
0x35: {  	s18 =	simm.s32 $0x7;
	s20 =	simm.s32 $0x0;
	s2 =	sshrl.u32 s2, $0x3  }
0x36: {  	s8 =	simm.s32 $0xD;
	s3 =	simm.s32 $0x780;
	s2 =	sadd.s32 s15, s2  }
0x37: {  	[tilespmem:s9], [sflag:$0x4] =	stream.strided.gather [hbm4b:s2+s16], $0x4800, s17, s16, $0x38;
	[tilespmem:$0x12100] =	vst v63  }
0x38: {  	s15 =	simm.s32 $0x5;
	s2 =	simm.s32 $0xF;
	s9 =	simm.s32 $0xB  }
.LBB2_2:
0x39: {  	s22 =	smulhi.u32 $0x51EB851F, s20  }
0x3a: {  	[dreg:$0x16] =	wrdreg s13;
	s21 =	smul.u32 $0x29, s20  }
0x3b: {  	[dreg:$0x15] =	wrdreg s12;
	s22 =	sshrl.u32 s22, $0x4  }
0x3c: {  	[dreg:$0x13] =	wrdreg s26;
	s24 =	sshrl.u32 s21, $0xB;
	s23 =	smul.u32 $0xFFFFFFCE, s22  }
0x3d: {  	[dreg:$0x12] =	wrdreg s8;
	s24 =	sand.u32 $0x1F, s24  }
0x3e: {  	s7 =	sadd.s32 s24, s6;
	s24 =	smul.u32 $0x300, s24;
	s23 =	sadd.s32 s23, s20  }
0x3f: {  	[dreg:$0xf] =	wrdreg s25;
	s25 =	smul.u32 $0xFC000, s7;
	s8 =	sshrl.u32 s23, $0x3  }
0x40: {  	[dreg:$0x11] =	wrdreg s5;
	s26 =	smul.u32 $0x24000, s8  }
0x41: {  	[dreg:$0x10] =	wrdreg s2  }
0x42: {  	v1 =	vld [tilespmem:s11+$0xFFFFFFF0];
	s24 =	sand.u32 $0x300, s24;
	s8 =	simm.s32 $0x1;
	s26 =	sadd.s32 s25, s26  }
0x43: {  	v0 =	vld [tilespmem:s11+$0x0];
	_ =	swait.ge [sflag:s8], $0x4800;
	s24 =	sor.u32 s24, s26  }
0x44: {  	s0 =	simm.s32 $0x100;
	[sflag:s8] =	ssyncset.done $0x0;
	s24 =	sshrl.u32 s24, $0x3  }
0x45: {  	s7 =	simm.s32 $0x5;
	[sflag:s8] =	ssyncadd.s32 $0xFFFFB800;
	s24 =	sadd.s32 s4, s24  }
0x46: {  	[hbm4b:s24+s16] =	stream.strided.scatter [tilespmem:s0], [sflag:$0x5], $0x4800, s17, s16, $0x38;
	[tilespmem:$0x12100] =	vst v63  }
0x47: {  	_ =	swait.ge [sflag:s7], $0x4800  }
0x48: {  	(v2sf) =	vpush v1, $0x4;
	_ =	sdelay $0xd  }
0x49: {  	s22 =	smul.u32 $0x1900, s22  }
0x4a: {  	s1 =	simm.s32 $0x100;
	s14 =	spop (v2sf)  }
0x4b: {  	s5 =	simm.s32 $0x2;
	s22 =	ssub.s32 s3, s22;
	s0 =	sshrl.u32 s14, $0x3  }
0x4c: {  	s23 =	sadd.s32 $0x1, s23;
	s24 =	sshll.u32 s14, $0x7;
	s26 =	smul.u32 $0x24000, s0  }
0x4d: {  	s23 =	sshrl.u32 s23, $0x3;
	[sflag:s7] =	ssyncset.done $0x0;
	s24 =	sand.u32 $0x380, s24  }
0x4e: {  	s23 =	smul.u32 $0x24000, s23;
	[sflag:s7] =	ssyncadd.s32 $0xFFFFB800;
	s24 =	sor.u32 s24, s26  }
0x4f: {  	s22 =	sadd.s32 $0xFFFFF900, s22;
	s0 =	rddreg [dreg:$0x0];
	s24 =	sshrl.u32 s24, $0x3  }
0x50: {  	s22 =	sand.u32 $0x380, s22;
	s23 =	sadd.s32 s25, s23;
	s24 =	sadd.s32 s0, s24  }
0x51: {  	[tilespmem:s1], [sflag:$0x1] =	stream.strided.gather [hbm4b:s24+s16], $0x4800, s17, s16, $0x38;
	[tilespmem:$0x12100] =	vst v63  }
0x52: {  	s22 =	sor.u32 s22, s23;
	_ =	swait.ge [sflag:s5], $0x4800  }
0x53: {  	s22 =	sshrl.u32 s22, $0x3;
	[sflag:s5] =	ssyncset.done $0x0  }
0x54: {  	s2 =	simm.s32 $0x4900;
	s22 =	sadd.s32 s4, s22;
	[sflag:s5] =	ssyncadd.s32 $0xFFFFB800  }
0x55: {  	[hbm4b:s22+s16] =	stream.strided.scatter [tilespmem:s2], [sflag:$0x6], $0x4800, s17, s16, $0x38;
	[tilespmem:$0x12100] =	vst v63  }
0x56: {  	s2 =	simm.s32 $0x6  }
0x57: {  	_ =	swait.ge [sflag:s2], $0x4800  }
0x58: {  	(v2sf) =	vpush v1, $0x5;
	_ =	sdelay $0xe  }
0x59: {  	s14 =	spop (v2sf)  }
0x5a: {  	s25 =	smulhi.u32 $0x51EB851F, s10;
	s24 =	sshrl.u32 s14, $0x3  }
0x5b: {  	s22 =	sshll.u32 s14, $0x7;
	s23 =	smul.u32 $0x24000, s24  }
0x5c: {  	s26 =	sshrl.u32 s25, $0x4;
	s22 =	sand.u32 $0x380, s22  }
0x5d: {  	s25 =	sadd.s32 $0x52, s21;
	[sflag:s2] =	ssyncset.done $0x0;
	s22 =	sor.u32 s22, s23  }
0x5e: {  	s1 =	simm.s32 $0x4900;
	[sflag:s2] =	ssyncadd.s32 $0xFFFFB800;
	s22 =	sshrl.u32 s22, $0x3  }
0x5f: {  	s14 =	smul.u32 $0x32, s26;
	s24 =	sshrl.u32 s25, $0xB;
	s22 =	sadd.s32 s0, s22  }
0x60: {  	[tilespmem:s1], [sflag:$0x2] =	stream.strided.gather [hbm4b:s22+s16], $0x4800, s17, s16, $0x38;
	[tilespmem:$0x12100] =	vst v63  }
0x61: {  	s24 =	sand.u32 $0x1F, s24;
	s22 =	ssub.s32 s20, s14  }
0x62: {  	s23 =	smul.u32 $0x1900, s26;
	s24 =	sadd.s32 s24, s6;
	s22 =	sadd.s32 $0x2, s22  }
0x63: {  	s24 =	smul.u32 $0xFC000, s24;
	s22 =	sshrl.u32 s22, $0x3  }
0x64: {  	s23 =	ssub.s32 s3, s23;
	s22 =	smul.u32 $0x24000, s22  }
0x65: {  	s23 =	sadd.s32 $0xFFFFF980, s23  }
0x66: {  	s23 =	sand.u32 $0x300, s23;
	s22 =	sadd.s32 s24, s22  }
0x67: {  	_ =	swait.ge [sflag:s28], $0x4800;
	s22 =	sor.u32 s23, s22  }
0x68: {  	[sflag:s28] =	ssyncset.done $0x0;
	s22 =	sshrl.u32 s22, $0x3  }
0x69: {  	s26 =	simm.s32 $0x9100;
	[sflag:s28] =	ssyncadd.s32 $0xFFFFB800;
	s22 =	sadd.s32 s4, s22  }
0x6a: {  	[hbm4b:s22+s16] =	stream.strided.scatter [tilespmem:s26], [sflag:$0x7], $0x4800, s17, s16, $0x38;
	[tilespmem:$0x12100] =	vst v63  }
0x6b: {  	_ =	swait.ge [sflag:s29], $0x4800  }
0x6c: {  	(v2sf) =	vpush v1, $0x6;
	_ =	sdelay $0xe  }
0x6d: {  	s14 =	spop (v2sf)  }
0x6e: {  	s25 =	smulhi.u32 $0x51EB851F, s12;
	s24 =	sshrl.u32 s14, $0x3  }
0x6f: {  	s22 =	sshll.u32 s14, $0x7;
	s23 =	smul.u32 $0x24000, s24  }
0x70: {  	s26 =	sshrl.u32 s25, $0x4;
	s22 =	sand.u32 $0x380, s22  }
0x71: {  	s1 =	simm.s32 $0x9100;
	s12 =	smul.u32 $0x32, s26;
	s22 =	sor.u32 s22, s23  }
0x72: {  	[sflag:s29] =	ssyncset.done $0x0;
	s14 =	sadd.s32 $0x7B, s21;
	s22 =	sshrl.u32 s22, $0x3  }
0x73: {  	[sflag:s29] =	ssyncadd.s32 $0xFFFFB800;
	s24 =	sshrl.u32 s14, $0xB;
	s22 =	sadd.s32 s0, s22  }
0x74: {  	[tilespmem:s1], [sflag:$0x3] =	stream.strided.gather [hbm4b:s22+s16], $0x4800, s17, s16, $0x38;
	[tilespmem:$0x12100] =	vst v63  }
0x75: {  	s24 =	sand.u32 $0x1F, s24;
	s22 =	ssub.s32 s20, s12  }
0x76: {  	s23 =	smul.u32 $0x1900, s26;
	s24 =	sadd.s32 s24, s6;
	s22 =	sadd.s32 $0x3, s22  }
0x77: {  	s24 =	smul.u32 $0xFC000, s24;
	s22 =	sshrl.u32 s22, $0x3  }
0x78: {  	s23 =	ssub.s32 s3, s23;
	s22 =	smul.u32 $0x24000, s22  }
0x79: {  	s23 =	sadd.s32 $0xFFFFFA00, s23  }
0x7a: {  	s23 =	sand.u32 $0x380, s23;
	s22 =	sadd.s32 s24, s22  }
0x7b: {  	_ =	swait.ge [sflag:s30], $0x4800;
	s22 =	sor.u32 s23, s22  }
0x7c: {  	s25 =	simm.s32 $0xD900;
	[sflag:s30] =	ssyncset.done $0x0;
	s22 =	sshrl.u32 s22, $0x3  }
0x7d: {  	s1 =	simm.s32 $0x8;
	[sflag:s30] =	ssyncadd.s32 $0xFFFFB800;
	s22 =	sadd.s32 s4, s22  }
0x7e: {  	[hbm4b:s22+s16] =	stream.strided.scatter [tilespmem:s25], [sflag:$0x8], $0x4800, s17, s16, $0x38;
	[tilespmem:$0x12100] =	vst v63  }
0x7f: {  	_ =	swait.ge [sflag:s1], $0x4800  }
0x80: {  	(v2sf) =	vpush v1, $0x7;
	_ =	sdelay $0xe  }
0x81: {  	s26 =	spop (v2sf)  }
0x82: {  	s13 =	smulhi.u32 $0x51EB851F, s13;
	s12 =	sshrl.u32 s26, $0x3  }
0x83: {  	s22 =	sshll.u32 s26, $0x7;
	s23 =	smul.u32 $0x24000, s12  }
0x84: {  	s14 =	sshrl.u32 s13, $0x4;
	s13 =	sadd.s32 $0xA4, s21;
	s22 =	sand.u32 $0x380, s22  }
0x85: {  	s24 =	sshrl.u32 s13, $0xB;
	s22 =	sor.u32 s22, s23  }
0x86: {  	s25 =	simm.s32 $0xD900;
	[sflag:s1] =	ssyncset.done $0x0;
	s22 =	sshrl.u32 s22, $0x3  }
0x87: {  	[sflag:s1] =	ssyncadd.s32 $0xFFFFB800;
	s26 =	smul.u32 $0x32, s14;
	s22 =	sadd.s32 s0, s22  }
0x88: {  	[tilespmem:s25], [sflag:$0x4] =	stream.strided.gather [hbm4b:s22+s16], $0x4800, s17, s16, $0x38;
	[tilespmem:$0x12100] =	vst v63  }
0x89: {  	s24 =	sand.u32 $0x1F, s24;
	s22 =	ssub.s32 s20, s26  }
0x8a: {  	s24 =	sadd.s32 s24, s6;
	s23 =	smul.u32 $0x1900, s14;
	s22 =	sadd.s32 $0x4, s22  }
0x8b: {  	s24 =	smul.u32 $0xFC000, s24;
	s22 =	sshrl.u32 s22, $0x3  }
0x8c: {  	s23 =	ssub.s32 s3, s23;
	s22 =	smul.u32 $0x24000, s22  }
0x8d: {  	s23 =	sadd.s32 $0xFFFFFA80, s23  }
0x8e: {  	s23 =	sand.u32 $0x300, s23;
	s22 =	sadd.s32 s24, s22  }
0x8f: {  	_ =	swait.ge [sflag:s8], $0x4800;
	s22 =	sor.u32 s23, s22  }
0x90: {  	[sflag:s8] =	ssyncset.done $0x0;
	s22 =	sshrl.u32 s22, $0x3  }
0x91: {  	s25 =	simm.s32 $0x100;
	[sflag:s8] =	ssyncadd.s32 $0xFFFFB800;
	s22 =	sadd.s32 s4, s22  }
0x92: {  	[hbm4b:s22+s16] =	stream.strided.scatter [tilespmem:s25], [sflag:$0x5], $0x4800, s17, s16, $0x38;
	[tilespmem:$0x12100] =	vst v63  }
0x93: {  	_ =	swait.ge [sflag:s7], $0x4800  }
0x94: {  	(v2sf) =	vpush v1, $0x8;
	_ =	sdelay $0xe  }
0x95: {  	s14 =	spop (v2sf)  }
0x96: {  	s24 =	sshrl.u32 s14, $0x3  }
0x97: {  	s22 =	sshll.u32 s14, $0x7;
	s23 =	smul.u32 $0x24000, s24  }
0x98: {  	s26 =	smulhi.u32 $0x51EB851F, s15;
	s22 =	sand.u32 $0x380, s22  }
0x99: {  	s22 =	sor.u32 s22, s23  }
0x9a: {  	s13 =	sshrl.u32 s26, $0x4;
	[sflag:s7] =	ssyncset.done $0x0;
	s22 =	sshrl.u32 s22, $0x3  }
0x9b: {  	[sflag:s7] =	ssyncadd.s32 $0xFFFFB800;
	s14 =	smul.u32 $0x32, s13;
	s22 =	sadd.s32 s0, s22  }
0x9c: {  	[tilespmem:s25], [sflag:$0x1] =	stream.strided.gather [hbm4b:s22+s16], $0x4800, s17, s16, $0x38;
	[tilespmem:$0x12100] =	vst v63  }
0x9d: {  	s25 =	sadd.s32 $0xCD, s21;
	s22 =	ssub.s32 s20, s14  }
0x9e: {  	s24 =	sshrl.u32 s25, $0xB;
	s22 =	sadd.s32 $0x5, s22  }
0x9f: {  	s23 =	smul.u32 $0x1900, s13;
	s24 =	sand.u32 $0x1F, s24;
	s22 =	sshrl.u32 s22, $0x3  }
0xa0: {  	s24 =	sadd.s32 s24, s6;
	s22 =	smul.u32 $0x24000, s22  }
0xa1: {  	s23 =	ssub.s32 s3, s23;
	s24 =	smul.u32 $0xFC000, s24  }
0xa2: {  	s23 =	sadd.s32 $0xFFFFFB00, s23  }
0xa3: {  	s23 =	sand.u32 $0x380, s23;
	s22 =	sadd.s32 s24, s22  }
0xa4: {  	_ =	swait.ge [sflag:s5], $0x4800;
	s22 =	sor.u32 s23, s22  }
0xa5: {  	[sflag:s5] =	ssyncset.done $0x0;
	s22 =	sshrl.u32 s22, $0x3  }
0xa6: {  	s25 =	simm.s32 $0x4900;
	[sflag:s5] =	ssyncadd.s32 $0xFFFFB800;
	s22 =	sadd.s32 s4, s22  }
0xa7: {  	[hbm4b:s22+s16] =	stream.strided.scatter [tilespmem:s25], [sflag:$0x6], $0x4800, s17, s16, $0x38;
	[tilespmem:$0x12100] =	vst v63  }
0xa8: {  	_ =	swait.ge [sflag:s2], $0x4800  }
0xa9: {  	(v2sf) =	vpush v1, $0x9;
	_ =	sdelay $0xe  }
0xaa: {  	s26 =	spop (v2sf)  }
0xab: {  	s13 =	sshrl.u32 s26, $0x3  }
0xac: {  	s22 =	sshll.u32 s26, $0x7;
	s23 =	smul.u32 $0x24000, s13  }
0xad: {  	s14 =	smulhi.u32 $0x51EB851F, s31;
	[sflag:s2] =	ssyncset.done $0x0;
	s22 =	sand.u32 $0x380, s22  }
0xae: {  	[sflag:s2] =	ssyncadd.s32 $0xFFFFB800;
	s22 =	sor.u32 s22, s23  }
0xaf: {  	s26 =	sshrl.u32 s14, $0x4;
	s14 =	sadd.s32 $0xF6, s21;
	s22 =	sshrl.u32 s22, $0x3  }
0xb0: {  	s13 =	smul.u32 $0x32, s26;
	s24 =	sshrl.u32 s14, $0xB;
	s22 =	sadd.s32 s0, s22  }
0xb1: {  	[tilespmem:s25], [sflag:$0x2] =	stream.strided.gather [hbm4b:s22+s16], $0x4800, s17, s16, $0x38;
	[tilespmem:$0x12100] =	vst v63  }
0xb2: {  	s24 =	sand.u32 $0x1F, s24;
	s22 =	ssub.s32 s20, s13  }
0xb3: {  	s23 =	smul.u32 $0x1900, s26;
	s24 =	sadd.s32 s24, s6;
	s22 =	sadd.s32 $0x6, s22  }
0xb4: {  	s24 =	smul.u32 $0xFC000, s24;
	s22 =	sshrl.u32 s22, $0x3  }
0xb5: {  	s23 =	ssub.s32 s3, s23;
	s22 =	smul.u32 $0x24000, s22  }
0xb6: {  	s23 =	sadd.s32 $0xFFFFFB80, s23  }
0xb7: {  	s23 =	sand.u32 $0x300, s23;
	s22 =	sadd.s32 s24, s22  }
0xb8: {  	_ =	swait.ge [sflag:s28], $0x4800;
	s22 =	sor.u32 s23, s22  }
0xb9: {  	[sflag:s28] =	ssyncset.done $0x0;
	s22 =	sshrl.u32 s22, $0x3  }
0xba: {  	s25 =	simm.s32 $0x9100;
	[sflag:s28] =	ssyncadd.s32 $0xFFFFB800;
	s22 =	sadd.s32 s4, s22  }
0xbb: {  	[hbm4b:s22+s16] =	stream.strided.scatter [tilespmem:s25], [sflag:$0x7], $0x4800, s17, s16, $0x38;
	[tilespmem:$0x12100] =	vst v63  }
0xbc: {  	_ =	swait.ge [sflag:s29], $0x4800  }
0xbd: {  	(v2sf) =	vpush v1, $0xA;
	_ =	sdelay $0xe  }
0xbe: {  	s24 =	spop (v2sf)  }
0xbf: {  	s26 =	sshrl.u32 s24, $0x3  }
0xc0: {  	s22 =	sshll.u32 s24, $0x7;
	s23 =	smul.u32 $0x24000, s26  }
0xc1: {  	s22 =	sand.u32 $0x380, s22  }
0xc2: {  	s13 =	smulhi.u32 $0x51EB851F, s18;
	s22 =	sor.u32 s22, s23  }
0xc3: {  	[sflag:s29] =	ssyncset.done $0x0;
	s22 =	sshrl.u32 s22, $0x3  }
0xc4: {  	s14 =	sshrl.u32 s13, $0x4;
	[sflag:s29] =	ssyncadd.s32 $0xFFFFB800;
	s22 =	sadd.s32 s0, s22  }
0xc5: {  	[tilespmem:s25], [sflag:$0x3] =	stream.strided.gather [hbm4b:s22+s16], $0x4800, s17, s16, $0x38;
	[tilespmem:$0x12100] =	vst v63  }
0xc6: {  	s26 =	sadd.s32 $0x11F, s21;
	s25 =	smul.u32 $0x32, s14  }
0xc7: {  	s24 =	sshrl.u32 s26, $0xB  }
0xc8: {  	s24 =	sand.u32 $0x1F, s24;
	s22 =	ssub.s32 s20, s25  }
0xc9: {  	s23 =	smul.u32 $0x1900, s14;
	s24 =	sadd.s32 s24, s6;
	s22 =	sadd.s32 $0x7, s22  }
0xca: {  	s24 =	smul.u32 $0xFC000, s24;
	s22 =	sshrl.u32 s22, $0x3  }
0xcb: {  	s23 =	ssub.s32 s3, s23;
	s22 =	smul.u32 $0x24000, s22  }
0xcc: {  	s23 =	sadd.s32 $0xFFFFFC00, s23  }
0xcd: {  	s23 =	sand.u32 $0x380, s23;
	s22 =	sadd.s32 s24, s22  }
0xce: {  	_ =	swait.ge [sflag:s30], $0x4800;
	s22 =	sor.u32 s23, s22  }
0xcf: {  	[sflag:s30] =	ssyncset.done $0x0;
	s22 =	sshrl.u32 s22, $0x3  }
0xd0: {  	s12 =	simm.s32 $0xD900;
	[sflag:s30] =	ssyncadd.s32 $0xFFFFB800;
	s22 =	sadd.s32 s4, s22  }
0xd1: {  	[hbm4b:s22+s16] =	stream.strided.scatter [tilespmem:s12], [sflag:$0x8], $0x4800, s17, s16, $0x38;
	[tilespmem:$0x12100] =	vst v63  }
0xd2: {  	_ =	swait.ge [sflag:s1], $0x4800  }
0xd3: {  	(v2sf) =	vpush v1, $0xB;
	_ =	sdelay $0x7  }
0xd4: {  	s13 =	smulhi.u32 $0x51EB851F, s19;
	_ =	sdelay $0x1  }
0xd5: {  	s22 =	sshrl.u32 s13, $0x4  }
0xd6: {  	s22 =	smul.u32 $0x32, s22;
	_ =	sdelay $0x1  }
0xd7: {  	s22 =	ssub.s32 s20, s22  }
0xd8: {  	s22 =	sadd.s32 $0x8, s22  }
0xd9: {  	s13 =	sadd.s32 $0x148, s21;
	s22 =	sshrl.u32 s22, $0x3;
	s14 =	spop (v2sf)  }
0xda: {  	s25 =	sshrl.u32 s13, $0xB;
	s22 =	smul.u32 $0x24000, s22;
	s26 =	sshrl.u32 s14, $0x3  }
0xdb: {  	s25 =	sand.u32 $0x1F, s25;
	s23 =	sshll.u32 s14, $0x7;
	s24 =	smul.u32 $0x24000, s26  }
0xdc: {  	s14 =	sadd.s32 s25, s6;
	s25 =	smul.u32 $0x300, s25;
	s23 =	sand.u32 $0x380, s23  }
0xdd: {  	[sflag:s1] =	ssyncset.done $0x0;
	s13 =	smul.u32 $0xFC000, s14;
	s23 =	sor.u32 s23, s24  }
0xde: {  	[sflag:s1] =	ssyncadd.s32 $0xFFFFB800;
	s26 =	rddreg [dreg:$0x13];
	s23 =	sshrl.u32 s23, $0x3  }
0xdf: {  	s14 =	sand.u32 $0x300, s25;
	s22 =	sadd.s32 s13, s22;
	s23 =	sadd.s32 s0, s23  }
0xe0: {  	[tilespmem:s12], [sflag:$0x4] =	stream.strided.gather [hbm4b:s23+s16], $0x4800, s17, s16, $0x38;
	[tilespmem:$0x12100] =	vst v63  }
0xe1: {  	s25 =	rddreg [dreg:$0xf];
	s22 =	sor.u32 s14, s22;
	_ =	swait.ge [sflag:s8], $0x4800  }
0xe2: {  	s22 =	sshrl.u32 s22, $0x3;
	[sflag:s8] =	ssyncset.done $0x0  }
0xe3: {  	s22 =	sadd.s32 s4, s22;
	s12 =	simm.s32 $0x100;
	[sflag:s8] =	ssyncadd.s32 $0xFFFFB800  }
0xe4: {  	[hbm4b:s22+s16] =	stream.strided.scatter [tilespmem:s12], [sflag:$0x5], $0x4800, s17, s16, $0x38;
	[tilespmem:$0x12100] =	vst v63  }
0xe5: {  	_ =	swait.ge [sflag:s7], $0x4800  }
0xe6: {  	(v2sf) =	vpush v1, $0xC;
	_ =	sdelay $0xe  }
0xe7: {  	s24 =	spop (v2sf)  }
0xe8: {  	s13 =	sshrl.u32 s24, $0x3  }
0xe9: {  	s22 =	sshll.u32 s24, $0x7;
	s23 =	smul.u32 $0x24000, s13  }
0xea: {  	s14 =	smulhi.u32 $0x51EB851F, s25;
	[sflag:s7] =	ssyncset.done $0x0;
	s22 =	sand.u32 $0x380, s22  }
0xeb: {  	[sflag:s7] =	ssyncadd.s32 $0xFFFFB800;
	s22 =	sor.u32 s22, s23  }
0xec: {  	s23 =	sshrl.u32 s14, $0x4;
	s14 =	sadd.s32 $0x171, s21;
	s22 =	sshrl.u32 s22, $0x3  }
0xed: {  	s13 =	smul.u32 $0x32, s23;
	s24 =	sshrl.u32 s14, $0xB;
	s22 =	sadd.s32 s0, s22  }
0xee: {  	[tilespmem:s12], [sflag:$0x1] =	stream.strided.gather [hbm4b:s22+s16], $0x4800, s17, s16, $0x38;
	[tilespmem:$0x12100] =	vst v63  }
0xef: {  	s24 =	sand.u32 $0x1F, s24;
	s22 =	ssub.s32 s20, s13  }
0xf0: {  	s23 =	smul.u32 $0x1900, s23;
	s24 =	sadd.s32 s24, s6;
	s22 =	sadd.s32 $0x9, s22  }
0xf1: {  	s24 =	smul.u32 $0xFC000, s24;
	s22 =	sshrl.u32 s22, $0x3  }
0xf2: {  	s23 =	ssub.s32 s3, s23;
	s22 =	smul.u32 $0x24000, s22  }
0xf3: {  	s23 =	sadd.s32 $0xFFFFFD00, s23  }
0xf4: {  	s23 =	sand.u32 $0x380, s23;
	s22 =	sadd.s32 s24, s22  }
0xf5: {  	_ =	swait.ge [sflag:s5], $0x4800;
	s22 =	sor.u32 s23, s22  }
0xf6: {  	[sflag:s5] =	ssyncset.done $0x0;
	s22 =	sshrl.u32 s22, $0x3  }
0xf7: {  	s13 =	simm.s32 $0x4900;
	[sflag:s5] =	ssyncadd.s32 $0xFFFFB800;
	s22 =	sadd.s32 s4, s22  }
0xf8: {  	[hbm4b:s22+s16] =	stream.strided.scatter [tilespmem:s13], [sflag:$0x6], $0x4800, s17, s16, $0x38;
	[tilespmem:$0x12100] =	vst v63  }
0xf9: {  	_ =	swait.ge [sflag:s2], $0x4800  }
0xfa: {  	(v2sf) =	vpush v1, $0xD;
	_ =	sdelay $0xe  }
0xfb: {  	s24 =	spop (v2sf)  }
0xfc: {  	s12 =	sshrl.u32 s24, $0x3  }
0xfd: {  	s22 =	sshll.u32 s24, $0x7;
	s23 =	smul.u32 $0x24000, s12  }
0xfe: {  	s22 =	sand.u32 $0x380, s22;
	s12 =	rddreg [dreg:$0x14]  }
0xff: {  	s14 =	smulhi.u32 $0x51EB851F, s12;
	s22 =	sor.u32 s22, s23  }
0x100: {  	[sflag:s2] =	ssyncset.done $0x0;
	s22 =	sshrl.u32 s22, $0x3  }
0x101: {  	[sflag:s2] =	ssyncadd.s32 $0xFFFFB800;
	s23 =	sshrl.u32 s14, $0x4;
	s22 =	sadd.s32 s0, s22  }
0x102: {  	[tilespmem:s13], [sflag:$0x2] =	stream.strided.gather [hbm4b:s22+s16], $0x4800, s17, s16, $0x38;
	[tilespmem:$0x12100] =	vst v63  }
0x103: {  	s14 =	smul.u32 $0x32, s23;
	s13 =	sadd.s32 $0x19A, s21  }
0x104: {  	s24 =	sshrl.u32 s13, $0xB  }
0x105: {  	s22 =	ssub.s32 s20, s14;
	s24 =	sand.u32 $0x1F, s24  }
0x106: {  	s23 =	smul.u32 $0x1900, s23;
	s22 =	sadd.s32 $0xA, s22;
	s24 =	sadd.s32 s24, s6  }
0x107: {  	s22 =	sshrl.u32 s22, $0x3;
	s24 =	smul.u32 $0xFC000, s24  }
0x108: {  	s23 =	ssub.s32 s3, s23;
	s22 =	smul.u32 $0x24000, s22  }
0x109: {  	s23 =	sadd.s32 $0xFFFFFD80, s23  }
0x10a: {  	s23 =	sand.u32 $0x300, s23;
	s22 =	sadd.s32 s24, s22  }
0x10b: {  	_ =	swait.ge [sflag:s28], $0x4800;
	s22 =	sor.u32 s23, s22  }
0x10c: {  	[sflag:s28] =	ssyncset.done $0x0;
	s22 =	sshrl.u32 s22, $0x3  }
0x10d: {  	s13 =	simm.s32 $0x9100;
	[sflag:s28] =	ssyncadd.s32 $0xFFFFB800;
	s22 =	sadd.s32 s4, s22  }
0x10e: {  	[hbm4b:s22+s16] =	stream.strided.scatter [tilespmem:s13], [sflag:$0x7], $0x4800, s17, s16, $0x38;
	[tilespmem:$0x12100] =	vst v63  }
0x10f: {  	_ =	swait.ge [sflag:s29], $0x4800  }
0x110: {  	(v2sf) =	vpush v1, $0xE;
	_ =	sdelay $0xe  }
0x111: {  	s14 =	spop (v2sf)  }
0x112: {  	s24 =	sshrl.u32 s14, $0x3  }
0x113: {  	s22 =	sshll.u32 s14, $0x7;
	s23 =	smul.u32 $0x24000, s24  }
0x114: {  	s22 =	sand.u32 $0x380, s22  }
0x115: {  	s14 =	smulhi.u32 $0x51EB851F, s9;
	s22 =	sor.u32 s22, s23  }
0x116: {  	[sflag:s29] =	ssyncset.done $0x0;
	s22 =	sshrl.u32 s22, $0x3  }
0x117: {  	[sflag:s29] =	ssyncadd.s32 $0xFFFFB800;
	s23 =	sshrl.u32 s14, $0x4;
	s22 =	sadd.s32 s0, s22  }
0x118: {  	[tilespmem:s13], [sflag:$0x3] =	stream.strided.gather [hbm4b:s22+s16], $0x4800, s17, s16, $0x38;
	[tilespmem:$0x12100] =	vst v63  }
0x119: {  	s14 =	sadd.s32 $0x1C3, s21;
	s22 =	smul.u32 $0x32, s23  }
0x11a: {  	s24 =	sshrl.u32 s14, $0xB  }
0x11b: {  	s24 =	sand.u32 $0x1F, s24;
	s22 =	ssub.s32 s20, s22  }
0x11c: {  	s23 =	smul.u32 $0x1900, s23;
	s24 =	sadd.s32 s24, s6;
	s22 =	sadd.s32 $0xB, s22  }
0x11d: {  	s24 =	smul.u32 $0xFC000, s24;
	s22 =	sshrl.u32 s22, $0x3  }
0x11e: {  	s23 =	ssub.s32 s3, s23;
	s22 =	smul.u32 $0x24000, s22  }
0x11f: {  	s23 =	sadd.s32 $0xFFFFFE00, s23  }
0x120: {  	s23 =	sand.u32 $0x380, s23;
	s22 =	sadd.s32 s24, s22  }
0x121: {  	_ =	swait.ge [sflag:s30], $0x4800;
	s22 =	sor.u32 s23, s22  }
0x122: {  	[sflag:s30] =	ssyncset.done $0x0;
	s22 =	sshrl.u32 s22, $0x3  }
0x123: {  	s14 =	simm.s32 $0xD900;
	[sflag:s30] =	ssyncadd.s32 $0xFFFFB800;
	s22 =	sadd.s32 s4, s22  }
0x124: {  	[hbm4b:s22+s16] =	stream.strided.scatter [tilespmem:s14], [sflag:$0x8], $0x4800, s17, s16, $0x38;
	[tilespmem:$0x12100] =	vst v63  }
0x125: {  	_ =	swait.ge [sflag:s1], $0x4800  }
0x126: {  	(v2sf) =	vpush v1, $0xF;
	_ =	sdelay $0xe  }
0x127: {  	s22 =	spop (v2sf)  }
0x128: {  	s24 =	sshrl.u32 s22, $0x3  }
0x129: {  	s22 =	sshll.u32 s22, $0x7;
	s23 =	smul.u32 $0x24000, s24  }
0x12a: {  	s22 =	sand.u32 $0x380, s22  }
0x12b: {  	s24 =	smulhi.u32 $0x51EB851F, s26;
	s22 =	sor.u32 s22, s23  }
0x12c: {  	[sflag:s1] =	ssyncset.done $0x0;
	s22 =	sshrl.u32 s22, $0x3  }
0x12d: {  	[sflag:s1] =	ssyncadd.s32 $0xFFFFB800;
	s23 =	sshrl.u32 s24, $0x4;
	s22 =	sadd.s32 s0, s22  }
0x12e: {  	[tilespmem:s14], [sflag:$0x4] =	stream.strided.gather [hbm4b:s22+s16], $0x4800, s17, s16, $0x38;
	[tilespmem:$0x12100] =	vst v63  }
0x12f: {  	s22 =	smul.u32 $0x32, s23;
	s14 =	sadd.s32 $0x1EC, s21  }
0x130: {  	s24 =	sshrl.u32 s14, $0xB  }
0x131: {  	s24 =	sand.u32 $0x1F, s24;
	s22 =	ssub.s32 s20, s22  }
0x132: {  	s23 =	smul.u32 $0x1900, s23;
	s24 =	sadd.s32 s24, s6;
	s22 =	sadd.s32 $0xC, s22  }
0x133: {  	s24 =	smul.u32 $0xFC000, s24;
	s22 =	sshrl.u32 s22, $0x3  }
0x134: {  	s23 =	ssub.s32 s3, s23;
	s22 =	smul.u32 $0x24000, s22  }
0x135: {  	s23 =	sadd.s32 $0xFFFFFE80, s23  }
0x136: {  	s23 =	sand.u32 $0x300, s23;
	s22 =	sadd.s32 s24, s22  }
0x137: {  	_ =	swait.ge [sflag:s8], $0x4800;
	s22 =	sor.u32 s23, s22  }
0x138: {  	[sflag:s8] =	ssyncset.done $0x0;
	s22 =	sshrl.u32 s22, $0x3  }
0x139: {  	s14 =	simm.s32 $0x100;
	[sflag:s8] =	ssyncadd.s32 $0xFFFFB800;
	s22 =	sadd.s32 s4, s22  }
0x13a: {  	[hbm4b:s22+s16] =	stream.strided.scatter [tilespmem:s14], [sflag:$0x5], $0x4800, s17, s16, $0x38;
	[tilespmem:$0x12100] =	vst v63  }
0x13b: {  	s8 =	rddreg [dreg:$0x12];
	_ =	swait.ge [sflag:s7], $0x4800  }
0x13c: {  	(v2sf) =	vpush v0, $0x0;
	_ =	sdelay $0xe  }
0x13d: {  	s22 =	spop (v2sf)  }
0x13e: {  	s24 =	sshrl.u32 s22, $0x3  }
0x13f: {  	s22 =	sshll.u32 s22, $0x7;
	s23 =	smul.u32 $0x24000, s24  }
0x140: {  	s22 =	sand.u32 $0x380, s22  }
0x141: {  	s24 =	smulhi.u32 $0x51EB851F, s8;
	s22 =	sor.u32 s22, s23  }
0x142: {  	[sflag:s7] =	ssyncset.done $0x0;
	s22 =	sshrl.u32 s22, $0x3  }
0x143: {  	[sflag:s7] =	ssyncadd.s32 $0xFFFFB800;
	s23 =	sshrl.u32 s24, $0x4;
	s22 =	sadd.s32 s0, s22  }
0x144: {  	[tilespmem:s14], [sflag:$0x1] =	stream.strided.gather [hbm4b:s22+s16], $0x4800, s17, s16, $0x38;
	[tilespmem:$0x12100] =	vst v63  }
0x145: {  	s7 =	sadd.s32 $0x215, s21;
	s14 =	smul.u32 $0x32, s23  }
0x146: {  	s24 =	sshrl.u32 s7, $0xB  }
0x147: {  	s24 =	sand.u32 $0x1F, s24;
	s22 =	ssub.s32 s20, s14  }
0x148: {  	s24 =	sadd.s32 s24, s6;
	s23 =	smul.u32 $0x1900, s23;
	s22 =	sadd.s32 $0xD, s22  }
0x149: {  	s24 =	smul.u32 $0xFC000, s24;
	s22 =	sshrl.u32 s22, $0x3  }
0x14a: {  	s23 =	ssub.s32 s3, s23;
	s22 =	smul.u32 $0x24000, s22  }
0x14b: {  	s23 =	sadd.s32 $0xFFFFFF00, s23  }
0x14c: {  	s23 =	sand.u32 $0x380, s23;
	s22 =	sadd.s32 s24, s22  }
0x14d: {  	_ =	swait.ge [sflag:s5], $0x4800;
	s22 =	sor.u32 s23, s22  }
0x14e: {  	[sflag:s5] =	ssyncset.done $0x0;
	s22 =	sshrl.u32 s22, $0x3  }
0x14f: {  	s7 =	simm.s32 $0x4900;
	[sflag:s5] =	ssyncadd.s32 $0xFFFFB800;
	s22 =	sadd.s32 s4, s22  }
0x150: {  	[hbm4b:s22+s16] =	stream.strided.scatter [tilespmem:s7], [sflag:$0x6], $0x4800, s17, s16, $0x38;
	[tilespmem:$0x12100] =	vst v63  }
0x151: {  	s5 =	rddreg [dreg:$0x11];
	_ =	swait.ge [sflag:s2], $0x4800  }
0x152: {  	(v2sf) =	vpush v0, $0x1;
	_ =	sdelay $0xe  }
0x153: {  	s14 =	spop (v2sf)  }
0x154: {  	s24 =	sshrl.u32 s14, $0x3  }
0x155: {  	s22 =	sshll.u32 s14, $0x7;
	s23 =	smul.u32 $0x24000, s24  }
0x156: {  	s14 =	smulhi.u32 $0x51EB851F, s5;
	s22 =	sand.u32 $0x380, s22  }
0x157: {  	s22 =	sor.u32 s22, s23  }
0x158: {  	[sflag:s2] =	ssyncset.done $0x0;
	s23 =	sshrl.u32 s14, $0x4;
	s22 =	sshrl.u32 s22, $0x3  }
0x159: {  	[sflag:s2] =	ssyncadd.s32 $0xFFFFB800;
	s14 =	smul.u32 $0x32, s23;
	s22 =	sadd.s32 s0, s22  }
0x15a: {  	[tilespmem:s7], [sflag:$0x2] =	stream.strided.gather [hbm4b:s22+s16], $0x4800, s17, s16, $0x38;
	[tilespmem:$0x12100] =	vst v63  }
0x15b: {  	s7 =	sadd.s32 $0x23E, s21;
	s22 =	ssub.s32 s20, s14  }
0x15c: {  	s24 =	sshrl.u32 s7, $0xB;
	s22 =	sadd.s32 $0xE, s22  }
0x15d: {  	s23 =	smul.u32 $0x1900, s23;
	s24 =	sand.u32 $0x1F, s24;
	s22 =	sshrl.u32 s22, $0x3  }
0x15e: {  	s24 =	sadd.s32 s24, s6;
	s22 =	smul.u32 $0x24000, s22  }
0x15f: {  	s23 =	ssub.s32 s3, s23;
	s24 =	smul.u32 $0xFC000, s24  }
0x160: {  	s23 =	sadd.s32 $0xFFFFFF80, s23  }
0x161: {  	s23 =	sand.u32 $0x300, s23;
	s22 =	sadd.s32 s24, s22  }
0x162: {  	s2 =	rddreg [dreg:$0x10];
	_ =	swait.ge [sflag:s28], $0x4800;
	s22 =	sor.u32 s23, s22  }
0x163: {  	[sflag:s28] =	ssyncset.done $0x0;
	s22 =	sshrl.u32 s22, $0x3  }
0x164: {  	s13 =	simm.s32 $0x9100;
	[sflag:s28] =	ssyncadd.s32 $0xFFFFB800;
	s22 =	sadd.s32 s4, s22  }
0x165: {  	[hbm4b:s22+s16] =	stream.strided.scatter [tilespmem:s13], [sflag:$0x7], $0x4800, s17, s16, $0x38;
	[tilespmem:$0x12100] =	vst v63  }
0x166: {  	_ =	swait.ge [sflag:s29], $0x4800  }
0x167: {  	(v2sf) =	vpush v0, $0x2;
	_ =	sdelay $0xe  }
0x168: {  	s14 =	spop (v2sf)  }
0x169: {  	s24 =	sshrl.u32 s14, $0x3  }
0x16a: {  	s21 =	sadd.s32 $0x267, s21;
	s22 =	sshll.u32 s14, $0x7;
	s23 =	smul.u32 $0x24000, s24  }
0x16b: {  	s7 =	smulhi.u32 $0x51EB851F, s2;
	s21 =	sshrl.u32 s21, $0xB;
	s22 =	sand.u32 $0x380, s22  }
0x16c: {  	s21 =	sand.u32 $0x1F, s21;
	s22 =	sor.u32 s22, s23  }
0x16d: {  	[sflag:s29] =	ssyncset.done $0x0;
	s23 =	sshrl.u32 s7, $0x4;
	s22 =	sshrl.u32 s22, $0x3  }
0x16e: {  	[sflag:s29] =	ssyncadd.s32 $0xFFFFB800;
	s14 =	smul.u32 $0x32, s23;
	s22 =	sadd.s32 s0, s22  }
0x16f: {  	[tilespmem:s13], [sflag:$0x3] =	stream.strided.gather [hbm4b:s22+s16], $0x4800, s17, s16, $0x38;
	[tilespmem:$0x12100] =	vst v63  }
0x170: {  	s21 =	sadd.s32 s21, s6;
	s22 =	ssub.s32 s20, s14  }
0x171: {  	s21 =	smul.u32 $0xFC000, s21;
	s22 =	sadd.s32 $0xF, s22  }
0x172: {  	s23 =	smul.u32 $0x1900, s23;
	s22 =	sshrl.u32 s22, $0x3  }
0x173: {  	s22 =	smul.u32 $0x24000, s22  }
0x174: {  	s23 =	ssub.s32 s3, s23  }
0x175: {  	s23 =	sand.u32 $0x380, s23;
	s21 =	sadd.s32 s21, s22  }
0x176: {  	s13 =	rddreg [dreg:$0x16];
	_ =	swait.ge [sflag:s30], $0x4800;
	s21 =	sor.u32 s23, s21  }
0x177: {  	[sflag:s30] =	ssyncset.done $0x0;
	s21 =	sshrl.u32 s21, $0x3  }
0x178: {  	s24 =	simm.s32 $0xD900;
	[sflag:s30] =	ssyncadd.s32 $0xFFFFB800;
	s21 =	sadd.s32 s4, s21  }
0x179: {  	[hbm4b:s21+s16] =	stream.strided.scatter [tilespmem:s24], [sflag:$0x8], $0x4800, s17, s16, $0x38;
	[tilespmem:$0x12100] =	vst v63  }
0x17a: {  	_ =	swait.ge [sflag:s1], $0x4800  }
0x17b: {  	(v2sf) =	vpush v0, $0x3;
	_ =	sdelay $0xc  }
0x17c: {  	p0 =	sne.s32 s20, $0xB0  }
0x17d: {  	s11 =	sadd.s32 $0x10, s11;
	s10 =	sadd.s32 $0x10, s10;
	s15 =	sadd.s32 $0x10, s15  }
0x17e: {  	s31 =	sadd.s32 $0x10, s31;
	s18 =	sadd.s32 $0x10, s18;
	s14 =	spop (v2sf)  }
0x17f: {  	s19 =	sadd.s32 $0x10, s19;
	s25 =	sadd.s32 $0x10, s25;
	s23 =	sshrl.u32 s14, $0x3  }
0x180: {  	s12 =	sadd.s32 $0x10, s12;
	s21 =	sshll.u32 s14, $0x7;
	s22 =	smul.u32 $0x24000, s23  }
0x181: {  	s9 =	sadd.s32 $0x10, s9;
	s26 =	sadd.s32 $0x10, s26;
	s21 =	sand.u32 $0x380, s21  }
0x182: {  	s8 =	sadd.s32 $0x10, s8;
	s5 =	sadd.s32 $0x10, s5;
	s21 =	sor.u32 s21, s22  }
.Ltmp0:
0x183: {  	[sflag:s1] =	ssyncset.done $0x0;
	s21 =	sshrl.u32 s21, $0x3;
	(pc) =	sbr.rel @p0 .LBB2_2-.Ltmp0, $4  }
0x184: {  	s2 =	sadd.s32 $0x10, s2;
	[sflag:s1] =	ssyncadd.s32 $0xFFFFB800;
	s21 =	sadd.s32 s0, s21  }
0x185: {  	[tilespmem:s24], [sflag:$0x4] =	stream.strided.gather [hbm4b:s21+s16], $0x4800, s17, s16, $0x38;
	[tilespmem:$0x12100] =	vst v63  }
0x186: {  	s3 =	sadd.s32 $0x800, s3;
	s20 =	sadd.s32 $0x10, s20;
	s24 =	rddreg [dreg:$0x15]  }
0x187: {  	s13 =	sadd.s32 $0x10, s13;
	[dreg:$0x14] =	wrdreg s12;
	s12 =	sadd.s32 $0x10, s24  }
0x188: {  	s18 =	simm.s32 $0x1  }
0x189: {  	v0 =	vld [tilespmem:$0xC0];
	_ =	swait.ge [sflag:s18], $0x4800  }
0x18a: {  	s3 =	simm.s32 $0x100;
	[sflag:s18] =	ssyncset.done $0x0  }
0x18b: {  	s15 =	simm.s32 $0x5;
	s0 =	rddreg [dreg:$0x5];
	[sflag:s18] =	ssyncadd.s32 $0xFFFFB800  }
0x18c: {  	[hbm4b:s0+s16] =	stream.strided.scatter [tilespmem:s3], [sflag:$0x5], $0x4800, s17, s16, $0x38;
	[tilespmem:$0x12100] =	vst v63  }
0x18d: {  	_ =	swait.ge [sflag:s15], $0x4800  }
0x18e: {  	(v2sf) =	vpush v0, $0x4;
	_ =	sdelay $0xe  }
0x18f: {  	s25 =	spop (v2sf)  }
0x190: {  	s2 =	sshrl.u32 s25, $0x3  }
0x191: {  	s0 =	sshll.u32 s25, $0x7;
	s2 =	smul.u32 $0x24000, s2  }
0x192: {  	[sflag:s15] =	ssyncset.done $0x0;
	s0 =	sand.u32 $0x380, s0  }
0x193: {  	[sflag:s15] =	ssyncadd.s32 $0xFFFFB800;
	s0 =	sor.u32 s0, s2  }
0x194: {  	s5 =	rddreg [dreg:$0x0];
	s0 =	sshrl.u32 s0, $0x3  }
0x195: {  	s7 =	simm.s32 $0x2;
	s0 =	sadd.s32 s5, s0  }
0x196: {  	[tilespmem:s3], [sflag:$0x1] =	stream.strided.gather [hbm4b:s0+s16], $0x4800, s17, s16, $0x38;
	[tilespmem:$0x12100] =	vst v63  }
0x197: {  	_ =	swait.ge [sflag:s7], $0x4800  }
0x198: {  	s8 =	simm.s32 $0x4900;
	[sflag:s7] =	ssyncset.done $0x0  }
0x199: {  	s14 =	simm.s32 $0x6;
	s26 =	rddreg [dreg:$0x6];
	[sflag:s7] =	ssyncadd.s32 $0xFFFFB800  }
0x19a: {  	[hbm4b:s26+s16] =	stream.strided.scatter [tilespmem:s8], [sflag:$0x6], $0x4800, s17, s16, $0x38;
	[tilespmem:$0x12100] =	vst v63  }
0x19b: {  	_ =	swait.ge [sflag:s14], $0x4800  }
0x19c: {  	(v2sf) =	vpush v0, $0x5;
	_ =	sdelay $0xe  }
0x19d: {  	s31 =	spop (v2sf)  }
0x19e: {  	s1 =	sshrl.u32 s31, $0x3  }
0x19f: {  	s0 =	sshll.u32 s31, $0x7;
	s2 =	smul.u32 $0x24000, s1  }
0x1a0: {  	s0 =	sand.u32 $0x380, s0  }
0x1a1: {  	s0 =	sor.u32 s0, s2  }
0x1a2: {  	[sflag:s14] =	ssyncset.done $0x0;
	s0 =	sshrl.u32 s0, $0x3  }
0x1a3: {  	s13 =	simm.s32 $0x3;
	[sflag:s14] =	ssyncadd.s32 $0xFFFFB800;
	s0 =	sadd.s32 s5, s0  }
0x1a4: {  	[tilespmem:s8], [sflag:$0x2] =	stream.strided.gather [hbm4b:s0+s16], $0x4800, s17, s16, $0x38;
	[tilespmem:$0x12100] =	vst v63  }
0x1a5: {  	_ =	swait.ge [sflag:s13], $0x4800  }
0x1a6: {  	s9 =	simm.s32 $0x9100;
	[sflag:s13] =	ssyncset.done $0x0  }
0x1a7: {  	s12 =	simm.s32 $0x7;
	s2 =	rddreg [dreg:$0x7];
	[sflag:s13] =	ssyncadd.s32 $0xFFFFB800  }
0x1a8: {  	[hbm4b:s2+s16] =	stream.strided.scatter [tilespmem:s9], [sflag:$0x7], $0x4800, s17, s16, $0x38;
	[tilespmem:$0x12100] =	vst v63  }
0x1a9: {  	_ =	swait.ge [sflag:s12], $0x4800  }
0x1aa: {  	(v2sf) =	vpush v0, $0x6;
	_ =	sdelay $0xe  }
0x1ab: {  	s10 =	spop (v2sf)  }
0x1ac: {  	s11 =	sshrl.u32 s10, $0x3  }
0x1ad: {  	s0 =	sshll.u32 s10, $0x7;
	s2 =	smul.u32 $0x24000, s11  }
0x1ae: {  	s0 =	sand.u32 $0x380, s0  }
0x1af: {  	s0 =	sor.u32 s0, s2  }
0x1b0: {  	[sflag:s12] =	ssyncset.done $0x0;
	s0 =	sshrl.u32 s0, $0x3  }
0x1b1: {  	[sflag:s12] =	ssyncadd.s32 $0xFFFFB800;
	s11 =	simm.s32 $0x4;
	s0 =	sadd.s32 s5, s0  }
0x1b2: {  	[tilespmem:s9], [sflag:$0x3] =	stream.strided.gather [hbm4b:s0+s16], $0x4800, s17, s16, $0x38;
	[tilespmem:$0x12100] =	vst v63  }
0x1b3: {  	_ =	swait.ge [sflag:s11], $0x4800  }
0x1b4: {  	s1 =	simm.s32 $0x8;
	[sflag:s11] =	ssyncset.done $0x0  }
0x1b5: {  	s10 =	simm.s32 $0xD900;
	s19 =	rddreg [dreg:$0x8];
	[sflag:s11] =	ssyncadd.s32 $0xFFFFB800  }
0x1b6: {  	[hbm4b:s19+s16] =	stream.strided.scatter [tilespmem:s10], [sflag:$0x8], $0x4800, s17, s16, $0x38;
	[tilespmem:$0x12100] =	vst v63  }
0x1b7: {  	_ =	swait.ge [sflag:s1], $0x4800  }
0x1b8: {  	(v2sf) =	vpush v0, $0x7;
	_ =	sdelay $0xe  }
0x1b9: {  	s20 =	spop (v2sf)  }
0x1ba: {  	s21 =	sshrl.u32 s20, $0x3  }
0x1bb: {  	s0 =	sshll.u32 s20, $0x7;
	s2 =	smul.u32 $0x24000, s21  }
0x1bc: {  	s0 =	sand.u32 $0x380, s0  }
0x1bd: {  	s0 =	sor.u32 s0, s2  }
0x1be: {  	[sflag:s1] =	ssyncset.done $0x0;
	s0 =	sshrl.u32 s0, $0x3  }
0x1bf: {  	[sflag:s1] =	ssyncadd.s32 $0xFFFFB800;
	s0 =	sadd.s32 s5, s0  }
0x1c0: {  	[tilespmem:s10], [sflag:$0x4] =	stream.strided.gather [hbm4b:s0+s16], $0x4800, s17, s16, $0x38;
	[tilespmem:$0x12100] =	vst v63  }
0x1c1: {  	_ =	swait.ge [sflag:s18], $0x4800  }
0x1c2: {  	[sflag:s18] =	ssyncset.done $0x0  }
0x1c3: {  	s22 =	rddreg [dreg:$0x9];
	[sflag:s18] =	ssyncadd.s32 $0xFFFFB800  }
0x1c4: {  	[hbm4b:s22+s16] =	stream.strided.scatter [tilespmem:s3], [sflag:$0x5], $0x4800, s17, s16, $0x38;
	[tilespmem:$0x12100] =	vst v63  }
0x1c5: {  	_ =	swait.ge [sflag:s15], $0x4800  }
0x1c6: {  	[sflag:s15] =	ssyncset.done $0x0  }
0x1c7: {  	[sflag:s15] =	ssyncadd.s32 $0xFFFFB800  }
0x1c8: {  	_ =	swait.ge [sflag:s7], $0x4800  }
0x1c9: {  	[sflag:s7] =	ssyncset.done $0x0  }
0x1ca: {  	s23 =	rddreg [dreg:$0xa];
	[sflag:s7] =	ssyncadd.s32 $0xFFFFB800  }
0x1cb: {  	[hbm4b:s23+s16] =	stream.strided.scatter [tilespmem:s8], [sflag:$0x6], $0x4800, s17, s16, $0x38;
	[tilespmem:$0x12100] =	vst v63  }
0x1cc: {  	_ =	swait.ge [sflag:s14], $0x4800  }
0x1cd: {  	[sflag:s14] =	ssyncset.done $0x0  }
0x1ce: {  	[sflag:s14] =	ssyncadd.s32 $0xFFFFB800  }
0x1cf: {  	_ =	swait.ge [sflag:s13], $0x4800  }
0x1d0: {  	[sflag:s13] =	ssyncset.done $0x0  }
0x1d1: {  	s24 =	rddreg [dreg:$0xb];
	[sflag:s13] =	ssyncadd.s32 $0xFFFFB800  }
0x1d2: {  	[hbm4b:s24+s16] =	stream.strided.scatter [tilespmem:s9], [sflag:$0x7], $0x4800, s17, s16, $0x38;
	[tilespmem:$0x12100] =	vst v63  }
0x1d3: {  	_ =	swait.ge [sflag:s12], $0x4800  }
0x1d4: {  	[sflag:s12] =	ssyncset.done $0x0  }
0x1d5: {  	[sflag:s12] =	ssyncadd.s32 $0xFFFFB800  }
0x1d6: {  	_ =	swait.ge [sflag:s11], $0x4800  }
0x1d7: {  	[sflag:s11] =	ssyncset.done $0x0  }
0x1d8: {  	s25 =	rddreg [dreg:$0xc];
	[sflag:s11] =	ssyncadd.s32 $0xFFFFB800  }
0x1d9: {  	[hbm4b:s25+s16] =	stream.strided.scatter [tilespmem:s10], [sflag:$0x8], $0x4800, s17, s16, $0x38;
	[tilespmem:$0x12100] =	vst v63  }
0x1da: {  	_ =	swait.ge [sflag:s1], $0x4800  }
0x1db: {  	s26 =	rddreg [dreg:$0xe]  }
0x1dc: {  	s31 =	rddreg [dreg:$0xd];
	s2 =	sadd.s32 $0x1, s26  }
0x1dd: {  	p0 =	sne.s32 s2, s31  }
.Ltmp1:
0x1de: {  	_ = 	snop;
	(pc) =	sbr.rel @p0 .LBB2_1-.Ltmp1, $3  }
0x1df: {  	_ =	sdelay $0x1  }
0x1e0: {  	s5 =	simm.s32 $0x100;
	s7 =	simm.s32 $0x4900;
	[sflag:s1] =	ssyncset.done $0x0  }
0x1e1: {  	s8 =	simm.s32 $0x9100;
	s9 =	simm.s32 $0xD900;
	[sflag:s1] =	ssyncadd.s32 $0xFFFFB800  }
0x1e2: {  	_ =	sfence.sel $0x180000  }
0x1e3: {  	[bflag:$0x0] =	sbarrier.arrive $0xFFFF  }
0x1e4: {  	_ =	strace $0x90000047  }
0x1e5: {  	s0 =	stileid.u32;
	[bflag:$0x2] =	sbarrier.arrive $0xFFFF  }
0x1e6: {  	p0 =	sne.s32 s0, $0x0;
	s0 =	rddreg [dreg:$0x3]  }
0x1e7: {  	s0 =	sadd.s32 @!p0 $0x100000, s0  }
0x1e8: {  	[sflag:s0] =	ssyncadd.tile.s32 @!p0 $0x1;
	_ =	shalt  }
.Lfunc_end2:
_tile_overlayer_lowered:
.L_overlay_start_2:
0x1e9: {  	(tag) =	ssettag $0x2  }
0x1ea: {  	s0 =	rddreg [dreg:$0x0];
	s2 =	stileid.u32  }
0x1eb: {  	s1 =	rddreg [dreg:$0x1];
	p0 =	sne.s32 s2, $0x0  }
0x1ec: {  	s3 =	rddreg [dreg:$0x2];
	[bflag:$0x3] =	sbarrier.arrive $0xFFFF;
	s2 =	simm.s32 @!p0 $0x1C09  }
0x1ed: {  	[timem:s3], [sflag:s2] =	dma.local @!p0 [hbm:s0], s1  }
0x1ee: {  	s0 =	simm.s32 @!p0 $0x9  }
0x1ef: {  	_ =	swait.ge @!p0 [sflag:s0], s1  }
0x1f0: {  	s1 =	ssub.s32 @!p0 $0x0, s1;
	[sflag:s0] =	ssyncset.done @!p0 $0x0  }
0x1f1: {  	[sflag:s0] =	ssyncadd.s32 @!p0 s1  }
0x1f2: {  	[bflag:$0x3] =	sbarrier.arrive $0xFFFF  }
0x1f3: {  	_ =	shalt  }

</sc_bundles>
